<compile_context>
chip_gen: v7x
topology: tpu7x:2x2x1
jax: 0.10.2.dev20260603
libtpu: 0.0.44.dev20260713+nightly
codegen_flags: <defaults>
</compile_context>

<pallas_src>
import jax
import jax.numpy as jnp
from jax import lax
from jax.experimental import pallas as pl
from jax.experimental.pallas import tpu as pltpu
from jax.experimental.pallas import tpu_sc as plsc

N = 10000
E = 160000
IN_DIM = 1433
HID = 512
OUT_DIM = 7

NTILE = 16
NH = 10240
ROWS_PT = NH // NTILE
EPAD = 163840
BE = 128
NB_C = EPAD // NTILE // BE
NB_W = EPAD // (2 * NTILE) // BE
CW = 128
NCH = HID // CW
CW2 = 128

_mesh = plsc.VectorSubcoreMesh(core_axis_name="c", subcore_axis_name="s")

f32 = jnp.float32
i32 = jnp.int32


def _zfill(ref, n):
    def body(j, _):
        ref[pl.ds(j * 16, 16)] = jnp.zeros((16,), f32)
        return 0
    lax.fori_loop(0, n // 16, body, 0)


def _deg_body(col_hbm, deg_hbm, colv, ones, zbuf, hist):
    c = lax.axis_index("c")
    s = lax.axis_index("s")
    w = c * NTILE + s
    def fo(j, _):
        ones[pl.ds(j * 16, 16)] = jnp.full((16,), 1.0, f32)
        return 0
    lax.fori_loop(0, BE // 16, fo, 0)
    _zfill(zbuf, ROWS_PT)
    pltpu.sync_copy(zbuf, hist.at[pl.ds(s * ROWS_PT, ROWS_PT)])
    pltpu.sync_copy(col_hbm.at[w], colv)
    plsc.subcore_barrier()
    def body(b, _):
        pltpu.sync_copy(ones, hist.at[colv.at[b]], add=True)
        return 0
    lax.fori_loop(0, NB_W, body, 0)
    plsc.subcore_barrier()
    pltpu.sync_copy(hist.at[pl.ds(s * ROWS_PT, ROWS_PT)],
                    deg_hbm.at[pl.ds(c * NH + s * ROWS_PT, ROWS_PT)])


def _deg_call(colA):
    return pl.kernel(
        _deg_body,
        out_type=jax.ShapeDtypeStruct((2 * NH,), f32),
        mesh=_mesh,
        scratch_types=[
            pltpu.VMEM((NB_W, BE), i32),
            pltpu.VMEM((BE,), f32),
            pltpu.VMEM((ROWS_PT,), f32),
            pltpu.VMEM_SHARED((NH,), f32),
        ],
    )(colA)


def _mm1_body(x_ref, w_ref, deg_ref, o_ref):
    d = deg_ref[:, 0] + deg_ref[:, 1] + 1.0
    dinv = lax.rsqrt(d)
    acc = jnp.dot(x_ref[...], w_ref[...], preferred_element_type=f32)
    o_ref[0] = acc * dinv[:, None]


def _mm1_call(x, W1, deg2):
    bn = 2000
    return pl.pallas_call(
        _mm1_body,
        grid=(N // bn, NCH),
        in_specs=[
            pl.BlockSpec((bn, IN_DIM), lambda i, k: (i, 0)),
            pl.BlockSpec((IN_DIM, CW), lambda i, k: (0, k)),
            pl.BlockSpec((bn, 2), lambda i, k: (i, 0)),
        ],
        out_specs=pl.BlockSpec((1, bn, CW), lambda i, k: (k, i, 0)),
        out_shape=jax.ShapeDtypeStruct((NCH, NH, CW), f32),
    )(x, W1, deg2)


def _prop1_body(g1_hbm, row_hbm, col_hbm, s1_hbm,
                rowv, colv, idxg, gbuf, zbuf, acc, sem):
    c = lax.axis_index("c")
    s = lax.axis_index("s")
    pltpu.sync_copy(row_hbm.at[s], rowv)
    pltpu.sync_copy(col_hbm.at[s], colv)
    def fz(r, _):
        def fz2(j, _):
            zbuf[r, pl.ds(j * 16, 16)] = jnp.zeros((16,), f32)
            return 0
        lax.fori_loop(0, CW // 16, fz2, 0)
        return 0
    lax.fori_loop(0, 64, fz, 0)
    for kl in range(2):
        k = c * 2 + kl
        off = k * NH
        def zc(q, _):
            pltpu.sync_copy(zbuf, acc.at[pl.ds(s * ROWS_PT + q * 64, 64)])
            return 0
        lax.fori_loop(0, ROWS_PT // 64, zc, 0)
        plsc.subcore_barrier()
        def body(b, _):
            for j in range(BE // 16):
                idxg[pl.ds(j * 16, 16)] = rowv[b, pl.ds(j * 16, 16)] + off
            pltpu.async_copy(g1_hbm.at[idxg], gbuf, sem).wait()
            pltpu.sync_copy(gbuf, acc.at[colv.at[b]], add=True)
            return 0
        lax.fori_loop(0, NB_C, body, 0)
        plsc.subcore_barrier()
        pltpu.sync_copy(acc.at[pl.ds(s * ROWS_PT, ROWS_PT)],
                        s1_hbm.at[pl.ds(off + s * ROWS_PT, ROWS_PT)])


def _prop1_call(g1f, rowC, colC):
    return pl.kernel(
        _prop1_body,
        out_type=jax.ShapeDtypeStruct((NCH * NH, CW), f32),
        mesh=_mesh,
        scratch_types=[
            pltpu.VMEM((NB_C, BE), i32),
            pltpu.VMEM((NB_C, BE), i32),
            pltpu.VMEM((BE,), i32),
            pltpu.VMEM((BE, CW), f32),
            pltpu.VMEM((64, CW), f32),
            pltpu.VMEM_SHARED((NH, CW), f32),
            pltpu.SemaphoreType.DMA,
        ],
    )(g1f, rowC, colC)


def _mm2_body(s1_ref, g1_ref, deg_ref, b1_ref, w2_ref, o_ref):
    d = deg_ref[:, 0] + deg_ref[:, 1] + 1.0
    dinv = lax.rsqrt(d)
    bn = d.shape[0]
    acc = jnp.zeros((bn, CW2), f32)
    for k in range(NCH):
        t = dinv[:, None] * (s1_ref[k] + g1_ref[k]) + b1_ref[k][None, :]
        t = jnp.maximum(t, 0.0)
        acc = acc + jnp.dot(t, w2_ref[k], preferred_element_type=f32)
    o_ref[...] = acc * dinv[:, None]


def _mm2_call(s1, g1, deg2, b1r, W2p):
    bn = 400
    return pl.pallas_call(
        _mm2_body,
        grid=(N // bn,),
        in_specs=[
            pl.BlockSpec((NCH, bn, CW), lambda i: (0, i, 0)),
            pl.BlockSpec((NCH, bn, CW), lambda i: (0, i, 0)),
            pl.BlockSpec((bn, 2), lambda i: (i, 0)),
            pl.BlockSpec((NCH, CW), lambda i: (0, 0)),
            pl.BlockSpec((NCH, CW, CW2), lambda i: (0, 0, 0)),
        ],
        out_specs=pl.BlockSpec((bn, CW2), lambda i: (i, 0)),
        out_shape=jax.ShapeDtypeStruct((N, CW2), f32),
    )(s1, g1, deg2, b1r, W2p)


def _prop2_body(g2_hbm, row_hbm, col_hbm, s2_hbm,
                rowv, colv, gbuf, zbuf, acc, sem):
    c = lax.axis_index("c")
    s = lax.axis_index("s")
    w = c * NTILE + s
    pltpu.sync_copy(row_hbm.at[w], rowv)
    pltpu.sync_copy(col_hbm.at[w], colv)
    def fz(r, _):
        zbuf[r, pl.ds(0, 16)] = jnp.zeros((16,), f32)
        return 0
    lax.fori_loop(0, 64, fz, 0)
    def zc(q, _):
        pltpu.sync_copy(zbuf, acc.at[pl.ds(s * ROWS_PT + q * 64, 64)])
        return 0
    lax.fori_loop(0, ROWS_PT // 64, zc, 0)
    plsc.subcore_barrier()
    def body(b, _):
        pltpu.async_copy(g2_hbm.at[rowv.at[b]], gbuf, sem).wait()
        pltpu.sync_copy(gbuf, acc.at[colv.at[b]], add=True)
        return 0
    lax.fori_loop(0, NB_W, body, 0)
    plsc.subcore_barrier()
    pltpu.sync_copy(acc.at[pl.ds(s * ROWS_PT, ROWS_PT)],
                    s2_hbm.at[pl.ds(c * NH + s * ROWS_PT, ROWS_PT)])


def _prop2_call(g2, rowE, colE):
    return pl.kernel(
        _prop2_body,
        out_type=jax.ShapeDtypeStruct((2 * NH, CW2), f32),
        mesh=_mesh,
        scratch_types=[
            pltpu.VMEM((NB_W, BE), i32),
            pltpu.VMEM((NB_W, BE), i32),
            pltpu.VMEM((BE, CW2), f32),
            pltpu.VMEM((64, CW2), f32),
            pltpu.VMEM_SHARED((NH, CW2), f32),
            pltpu.SemaphoreType.DMA,
        ],
    )(g2, rowE, colE)


def _fin_body(s2_ref, g2_ref, deg_ref, b2_ref, o_ref):
    d = deg_ref[:, 0] + deg_ref[:, 1] + 1.0
    dinv = lax.rsqrt(d)
    o_ref[...] = dinv[:, None] * (s2_ref[0] + s2_ref[1] + g2_ref[...]) \
        + b2_ref[0][None, :]


def _fin_call(s2, g2, deg2, b2p):
    bn = 400
    return pl.pallas_call(
        _fin_body,
        grid=(N // bn,),
        in_specs=[
            pl.BlockSpec((2, bn, CW2), lambda i: (0, i, 0)),
            pl.BlockSpec((bn, CW2), lambda i: (i, 0)),
            pl.BlockSpec((bn, 2), lambda i: (i, 0)),
            pl.BlockSpec((1, CW2), lambda i: (0, 0)),
        ],
        out_specs=pl.BlockSpec((bn, CW2), lambda i: (i, 0)),
        out_shape=jax.ShapeDtypeStruct((N, CW2), f32),
    )(s2, g2, deg2, b2p)


def kernel(x, edge_index, W1, b1, W2, b2):
    npad = EPAD - E
    rowp = jnp.concatenate([edge_index[0], jnp.zeros((npad,), i32)])
    colp = jnp.concatenate([edge_index[1], jnp.full((npad,), N, i32)])
    colA = colp.reshape(2 * NTILE, NB_W, BE)
    rowC = rowp.reshape(NTILE, NB_C, BE)
    colC = colp.reshape(NTILE, NB_C, BE)
    rowE = rowp.reshape(2 * NTILE, NB_W, BE)
    colE = colp.reshape(2 * NTILE, NB_W, BE)

    W2p = jnp.pad(W2, ((0, 0), (0, CW2 - OUT_DIM))).reshape(NCH, CW, CW2)
    b1r = b1.reshape(NCH, CW)
    b2p = jnp.pad(b2, (0, CW2 - OUT_DIM)).reshape(1, CW2)

    deg2 = _deg_call(colA).reshape(2, NH).T
    g1 = _mm1_call(x, W1, deg2)
    s1 = _prop1_call(g1.reshape(NCH * NH, CW), rowC, colC)
    g2 = _mm2_call(s1.reshape(NCH, NH, CW), g1, deg2, b1r, W2p)
    s2 = _prop2_call(g2, rowE, colE)
    out16 = _fin_call(s2.reshape(2, NH, CW2), g2, deg2, b2p)
    return out16[:, :OUT_DIM]

# --- scband reference (transcript-rebuilt; emitter-appended) ---
"""Pipeline reference for scband-gcn-71949292143073 (READ-ONLY COPY).

The authoritative reference and input builder live on the scoring server;
editing this copy changes nothing except your own understanding.
"""

import jax, jax.numpy as jnp
import numpy as np

N = 10000
E = 160000
IN_DIM = 1433
HID = 512
OUT_DIM = 7


def setup_inputs(seed: int = 0) -> dict:
    key = jax.random.key(seed)
    k1, k2, k3, k4, k5, k6 = jax.random.split(key, 6)
    x = jax.random.normal(k1, (N, IN_DIM), dtype=jnp.float32)
    edge_index = jax.random.randint(k2, (2, E), 0, N, dtype=jnp.int32)
    W1 = jax.random.normal(k3, (IN_DIM, HID), dtype=jnp.float32) * (1.0 / np.sqrt(IN_DIM))
    b1 = jnp.zeros((HID,), dtype=jnp.float32)
    W2 = jax.random.normal(k4, (HID, OUT_DIM), dtype=jnp.float32) * (1.0 / np.sqrt(HID))
    b2 = jnp.zeros((OUT_DIM,), dtype=jnp.float32)
    return {"x": x, "edge_index": edge_index, "W1": W1, "b1": b1, "W2": W2, "b2": b2}


def _gcn_conv(x, W, b, row, col, n_nodes):
    # GCNConv with add_self_loops already applied to (row, col), symmetric normalization
    ones = jnp.ones(row.shape, dtype=x.dtype)
    deg = jnp.zeros((n_nodes,), dtype=x.dtype).at[col].add(ones)
    dinv = jnp.where(deg > 0, deg ** -0.5, 0.0)
    norm = dinv[row] * dinv[col]
    h = x @ W  # transform before propagation (out_channels <= in or standard GCN order)
    msg = h[row] * norm[:, None]
    out = jnp.zeros((n_nodes, W.shape[1]), dtype=x.dtype).at[col].add(msg)
    return out + b


def reference(x, edge_index, W1, b1, W2, b2):
    loops = jnp.arange(N, dtype=edge_index.dtype)
    row = jnp.concatenate([edge_index[0], loops])
    col = jnp.concatenate([edge_index[1], loops])
    h = _gcn_conv(x, W1, b1, row, col, N)
    h = jax.nn.relu(h)
    # dropout is identity in eval mode
    out = _gcn_conv(h, W2, b2, row, col, N)
    return out

if __name__ == "__main__":
    import jax
    _d = setup_inputs()
    print(jax.jit(kernel)(*tuple(_d.values())))

</pallas_src>

<mosaic_0001>
#map = affine_map<(d0, d1) -> (0, 0)>
#map1 = affine_map<(d0, d1) -> (0, 0, 0)>
module attributes {stable_mosaic.version = 14 : i64} {
  func.func @_prop2_body(%arg0: i32, %arg1: i32, %arg2: memref<10000x128xf32, #tpu.memory_space<hbm>>, %arg3: memref<32x40x128xi32, #tpu.memory_space<hbm>>, %arg4: memref<32x40x128xi32, #tpu.memory_space<hbm>>, %arg5: memref<20480x128xf32, #tpu.memory_space<hbm>>, %arg6: memref<40x128xi32, #tpu.memory_space<vmem>>, %arg7: memref<40x128xi32, #tpu.memory_space<vmem>>, %arg8: memref<128x128xf32, #tpu.memory_space<vmem>>, %arg9: memref<64x128xf32, #tpu.memory_space<vmem>>, %arg10: memref<10240x128xf32, #tpu.memory_space<vmem_shared>>, %arg11: memref<!tpu.dma_semaphore, #tpu.memory_space<semaphore_mem>>) attributes {dimension_semantics = [#tpu.dimension_semantics<core_parallel>, #tpu.dimension_semantics<subcore_parallel>], iteration_bounds = array<i64: 2, 16>, scalar_prefetch = 0 : i64, scratch_operands = 6 : i64, tpu.core_type = #tpu.core_type<sc_vector_subcore>, window_params = [{transform_indices = #map}, {transform_indices = #map1}, {transform_indices = #map1}, {transform_indices = #map}]} {
    %mul3A = arith.constant 16 : i32
    %mul3A_0 = arith.muli %arg0, %mul3A : i32
    %add3A = arith.addi %mul3A_0, %arg1 : i32
    "tpu.region"() ({
      %run_scoped3A = tpu.sem_alloc : memref<!tpu.dma_semaphore, #tpu.memory_space<semaphore_mem>>
      %dma_start3A = arith.constant 0 : i32
      %dma_start3A_29 = arith.constant 0 : i32
      %dma_start3A_30 = tpu.memref_slice %arg3[%add3A, %dma_start3A, %dma_start3A_29] : memref<32x40x128xi32, #tpu.memory_space<hbm>> -> memref<1x40x128xi32, #tpu.memory_space<hbm>>
      %dma_start3A_31 = tpu.memref_squeeze %dma_start3A_30 : memref<1x40x128xi32, #tpu.memory_space<hbm>> -> memref<40x128xi32, #tpu.memory_space<hbm>>
      %dma_start3A_32 = arith.constant 0 : i32
      %dma_start3A_33 = arith.constant 0 : i32
      %dma_start3A_34 = tpu.memref_slice %arg3[%add3A, %dma_start3A_32, %dma_start3A_33] : memref<32x40x128xi32, #tpu.memory_space<hbm>> -> memref<1x40x128xi32, #tpu.memory_space<hbm>>
      %dma_start3A_35 = tpu.memref_squeeze %dma_start3A_34 : memref<1x40x128xi32, #tpu.memory_space<hbm>> -> memref<40x128xi32, #tpu.memory_space<hbm>>
      tpu.enqueue_dma source(%dma_start3A_35 : memref<40x128xi32, #tpu.memory_space<hbm>>) target(%arg6 : memref<40x128xi32, #tpu.memory_space<vmem>>) target_semaphore(%run_scoped3A : memref<!tpu.dma_semaphore, #tpu.memory_space<semaphore_mem>>)
      %dma_wait3A = arith.constant 0 : i32
      %dma_wait3A_36 = arith.constant 0 : i32
      %dma_wait3A_37 = tpu.memref_slice %arg3[%add3A, %dma_wait3A, %dma_wait3A_36] : memref<32x40x128xi32, #tpu.memory_space<hbm>> -> memref<1x40x128xi32, #tpu.memory_space<hbm>>
      %dma_wait3A_38 = tpu.memref_squeeze %dma_wait3A_37 : memref<1x40x128xi32, #tpu.memory_space<hbm>> -> memref<40x128xi32, #tpu.memory_space<hbm>>
      %dma_wait3A_39 = arith.constant 0 : i32
      %dma_wait3A_40 = arith.constant 0 : i32
      %dma_wait3A_41 = tpu.memref_slice %arg3[%add3A, %dma_wait3A_39, %dma_wait3A_40] : memref<32x40x128xi32, #tpu.memory_space<hbm>> -> memref<1x40x128xi32, #tpu.memory_space<hbm>>
      %dma_wait3A_42 = tpu.memref_squeeze %dma_wait3A_41 : memref<1x40x128xi32, #tpu.memory_space<hbm>> -> memref<40x128xi32, #tpu.memory_space<hbm>>
      tpu.wait_dma2 semaphore(%run_scoped3A : memref<!tpu.dma_semaphore, #tpu.memory_space<semaphore_mem>>) src(%dma_wait3A_42 : memref<40x128xi32, #tpu.memory_space<hbm>>) dst(%arg6 : memref<40x128xi32, #tpu.memory_space<vmem>>)
      tpu.yield
    }) : () -> ()
    "tpu.region"() ({
      %run_scoped3A = tpu.sem_alloc : memref<!tpu.dma_semaphore, #tpu.memory_space<semaphore_mem>>
      %dma_start3A = arith.constant 0 : i32
      %dma_start3A_29 = arith.constant 0 : i32
      %dma_start3A_30 = tpu.memref_slice %arg4[%add3A, %dma_start3A, %dma_start3A_29] : memref<32x40x128xi32, #tpu.memory_space<hbm>> -> memref<1x40x128xi32, #tpu.memory_space<hbm>>
      %dma_start3A_31 = tpu.memref_squeeze %dma_start3A_30 : memref<1x40x128xi32, #tpu.memory_space<hbm>> -> memref<40x128xi32, #tpu.memory_space<hbm>>
      %dma_start3A_32 = arith.constant 0 : i32
      %dma_start3A_33 = arith.constant 0 : i32
      %dma_start3A_34 = tpu.memref_slice %arg4[%add3A, %dma_start3A_32, %dma_start3A_33] : memref<32x40x128xi32, #tpu.memory_space<hbm>> -> memref<1x40x128xi32, #tpu.memory_space<hbm>>
      %dma_start3A_35 = tpu.memref_squeeze %dma_start3A_34 : memref<1x40x128xi32, #tpu.memory_space<hbm>> -> memref<40x128xi32, #tpu.memory_space<hbm>>
      tpu.enqueue_dma source(%dma_start3A_35 : memref<40x128xi32, #tpu.memory_space<hbm>>) target(%arg7 : memref<40x128xi32, #tpu.memory_space<vmem>>) target_semaphore(%run_scoped3A : memref<!tpu.dma_semaphore, #tpu.memory_space<semaphore_mem>>)
      %dma_wait3A = arith.constant 0 : i32
      %dma_wait3A_36 = arith.constant 0 : i32
      %dma_wait3A_37 = tpu.memref_slice %arg4[%add3A, %dma_wait3A, %dma_wait3A_36] : memref<32x40x128xi32, #tpu.memory_space<hbm>> -> memref<1x40x128xi32, #tpu.memory_space<hbm>>
      %dma_wait3A_38 = tpu.memref_squeeze %dma_wait3A_37 : memref<1x40x128xi32, #tpu.memory_space<hbm>> -> memref<40x128xi32, #tpu.memory_space<hbm>>
      %dma_wait3A_39 = arith.constant 0 : i32
      %dma_wait3A_40 = arith.constant 0 : i32
      %dma_wait3A_41 = tpu.memref_slice %arg4[%add3A, %dma_wait3A_39, %dma_wait3A_40] : memref<32x40x128xi32, #tpu.memory_space<hbm>> -> memref<1x40x128xi32, #tpu.memory_space<hbm>>
      %dma_wait3A_42 = tpu.memref_squeeze %dma_wait3A_41 : memref<1x40x128xi32, #tpu.memory_space<hbm>> -> memref<40x128xi32, #tpu.memory_space<hbm>>
      tpu.wait_dma2 semaphore(%run_scoped3A : memref<!tpu.dma_semaphore, #tpu.memory_space<semaphore_mem>>) src(%dma_wait3A_42 : memref<40x128xi32, #tpu.memory_space<hbm>>) dst(%arg7 : memref<40x128xi32, #tpu.memory_space<vmem>>)
      tpu.yield
    }) : () -> ()
    %scan3A = arith.constant 0 : i32
    %scan3A_1 = arith.constant 0 : i32
    %scan3A_2 = arith.constant 64 : i32
    %scan3A_3 = arith.addi %scan3A_1, %scan3A_2 : i32
    %scan3A_4 = arith.constant 1 : i32
    %scan3A_5 = scf.for %scan3A_29 = %scan3A_1 to %scan3A_3 step %scan3A_4 iter_args(%scan3A_30 = %scan3A) -> (i32)  : i32 {
      %broadcast_in_dim3A = arith.constant 0.000000e+00 : f32
      %broadcast_in_dim3A_31 = vector.broadcast %broadcast_in_dim3A : f32 to vector<16xf32>
      %swap3A = arith.index_cast %scan3A_29 : i32 to index
      %swap3A_32 = arith.constant 0 : index
      %swap3A_33 = tpu.vector_load %arg9[%swap3A, %swap3A_32] {strides = array<i32>} : memref<64x128xf32, #tpu.memory_space<vmem>>, vector<1x16xf32>,
      %swap3A_34 = vector.shape_cast %swap3A_33 : vector<1x16xf32> to vector<16xf32>
      %swap3A_35 = vector.shape_cast %broadcast_in_dim3A_31 : vector<16xf32> to vector<1x16xf32>
      tpu.vector_store %arg9[%swap3A, %swap3A_32], %swap3A_35 {strides = array<i32>} : memref<64x128xf32, #tpu.memory_space<vmem>>, vector<1x16xf32>,
      %scan3A_36 = arith.constant 0 : i32
      scf.yield %scan3A_36 : i32
    }
    %scan3A_6 = arith.constant 64 : i32
    %scan3A_7 = arith.constant 0 : i32
    %scan3A_8 = arith.constant 0 : i32
    %scan3A_9 = arith.constant 10 : i32
    %scan3A_10 = arith.addi %scan3A_8, %scan3A_9 : i32
    %scan3A_11 = arith.constant 1 : i32
    %scan3A_12 = scf.for %scan3A_29 = %scan3A_8 to %scan3A_10 step %scan3A_11 iter_args(%scan3A_30 = %scan3A_7) -> (i32)  : i32 {
      %mul3A_31 = arith.constant 640 : i32
      %mul3A_32 = arith.muli %arg1, %mul3A_31 : i32
      %mul3A_33 = arith.constant 64 : i32
      %mul3A_34 = arith.muli %scan3A_29, %mul3A_33 : i32
      %add3A_35 = arith.addi %mul3A_32, %mul3A_34 : i32
      "tpu.region"() ({
        %run_scoped3A = tpu.sem_alloc : memref<!tpu.dma_semaphore, #tpu.memory_space<semaphore_mem>>
        %dma_start3A = arith.constant 0 : i32
        %dma_start3A_37 = tpu.memref_slice %arg10[%add3A_35, %dma_start3A] : memref<10240x128xf32, #tpu.memory_space<vmem_shared>> -> memref<64x128xf32, #tpu.memory_space<vmem_shared>>
        %dma_start3A_38 = arith.constant 0 : i32
        %dma_start3A_39 = tpu.memref_slice %arg10[%add3A_35, %dma_start3A_38] : memref<10240x128xf32, #tpu.memory_space<vmem_shared>> -> memref<64x128xf32, #tpu.memory_space<vmem_shared>>
        tpu.enqueue_dma source(%arg9 : memref<64x128xf32, #tpu.memory_space<vmem>>) target(%dma_start3A_39 : memref<64x128xf32, #tpu.memory_space<vmem_shared>>) target_semaphore(%run_scoped3A : memref<!tpu.dma_semaphore, #tpu.memory_space<semaphore_mem>>)
        %dma_wait3A = arith.constant 0 : i32
        %dma_wait3A_40 = tpu.memref_slice %arg10[%add3A_35, %dma_wait3A] : memref<10240x128xf32, #tpu.memory_space<vmem_shared>> -> memref<64x128xf32, #tpu.memory_space<vmem_shared>>
        %dma_wait3A_41 = arith.constant 0 : i32
        %dma_wait3A_42 = tpu.memref_slice %arg10[%add3A_35, %dma_wait3A_41] : memref<10240x128xf32, #tpu.memory_space<vmem_shared>> -> memref<64x128xf32, #tpu.memory_space<vmem_shared>>
        tpu.wait_dma2 semaphore(%run_scoped3A : memref<!tpu.dma_semaphore, #tpu.memory_space<semaphore_mem>>) src(%arg9 : memref<64x128xf32, #tpu.memory_space<vmem>>) dst(%dma_wait3A_42 : memref<64x128xf32, #tpu.memory_space<vmem_shared>>)
        tpu.yield
      }) : () -> ()
      %scan3A_36 = arith.constant 0 : i32
      scf.yield %scan3A_36 : i32
    }
    %scan3A_13 = arith.constant 10 : i32
    %barrier3A = arith.constant 0 : index
    tpu.barrier barrier_id(%barrier3A)
    %scan3A_14 = arith.constant 0 : i32
    %scan3A_15 = arith.constant 0 : i32
    %scan3A_16 = arith.constant 40 : i32
    %scan3A_17 = arith.addi %scan3A_15, %scan3A_16 : i32
    %scan3A_18 = arith.constant 1 : i32
    %scan3A_19 = scf.for %scan3A_29 = %scan3A_15 to %scan3A_17 step %scan3A_18 iter_args(%scan3A_30 = %scan3A_14) -> (i32)  : i32 {
      %dma_start3A = arith.constant 0 : i32
      %dma_start3A_31 = tpu.memref_slice %arg6[%scan3A_29, %dma_start3A] : memref<40x128xi32, #tpu.memory_space<vmem>> -> memref<1x128xi32, #tpu.memory_space<vmem>>
      %dma_start3A_32 = tpu.memref_squeeze %dma_start3A_31 : memref<1x128xi32, #tpu.memory_space<vmem>> -> memref<128xi32, #tpu.memory_space<vmem>>
      %dma_start3A_33 = arith.constant 0 : i32
      %dma_start3A_34 = arith.constant 0 : i32
      %dma_start3A_35 = tpu.memref_slice %arg2[%dma_start3A_33, %dma_start3A_34] : memref<10000x128xf32, #tpu.memory_space<hbm>> -> memref<10000x128xf32, #tpu.memory_space<hbm>>
      tpu.enqueue_indirect_dma source(%dma_start3A_35 : memref<10000x128xf32, #tpu.memory_space<hbm>>) target(%arg8 : memref<128x128xf32, #tpu.memory_space<vmem>>) offsets(%dma_start3A_32 : memref<128xi32, #tpu.memory_space<vmem>>) semaphore(%arg11 : memref<!tpu.dma_semaphore, #tpu.memory_space<semaphore_mem>>)
      %dma_wait3A = arith.constant 0 : i32
      %dma_wait3A_36 = tpu.memref_slice %arg6[%scan3A_29, %dma_wait3A] : memref<40x128xi32, #tpu.memory_space<vmem>> -> memref<1x128xi32, #tpu.memory_space<vmem>>
      %dma_wait3A_37 = tpu.memref_squeeze %dma_wait3A_36 : memref<1x128xi32, #tpu.memory_space<vmem>> -> memref<128xi32, #tpu.memory_space<vmem>>
      %dma_wait3A_38 = arith.constant 0 : i32
      %dma_wait3A_39 = arith.constant 0 : i32
      %dma_wait3A_40 = tpu.memref_slice %arg2[%dma_wait3A_38, %dma_wait3A_39] : memref<10000x128xf32, #tpu.memory_space<hbm>> -> memref<10000x128xf32, #tpu.memory_space<hbm>>
      tpu.wait_indirect_dma semaphore(%arg11 : memref<!tpu.dma_semaphore, #tpu.memory_space<semaphore_mem>>) src(%dma_wait3A_40 : memref<10000x128xf32, #tpu.memory_space<hbm>>) dst(%arg8 : memref<128x128xf32, #tpu.memory_space<vmem>>)
      "tpu.region"() ({
        %run_scoped3A = tpu.sem_alloc : memref<!tpu.dma_semaphore, #tpu.memory_space<semaphore_mem>>
        %dma_start3A_42 = arith.constant 0 : i32
        %dma_start3A_43 = tpu.memref_slice %arg7[%scan3A_29, %dma_start3A_42] : memref<40x128xi32, #tpu.memory_space<vmem>> -> memref<1x128xi32, #tpu.memory_space<vmem>>
        %dma_start3A_44 = tpu.memref_squeeze %dma_start3A_43 : memref<1x128xi32, #tpu.memory_space<vmem>> -> memref<128xi32, #tpu.memory_space<vmem>>
        %dma_start3A_45 = arith.constant 0 : i32
        %dma_start3A_46 = arith.constant 0 : i32
        %dma_start3A_47 = tpu.memref_slice %arg10[%dma_start3A_45, %dma_start3A_46] : memref<10240x128xf32, #tpu.memory_space<vmem_shared>> -> memref<10240x128xf32, #tpu.memory_space<vmem_shared>>
        tpu.enqueue_indirect_dma source(%arg8 : memref<128x128xf32, #tpu.memory_space<vmem>>) target(%dma_start3A_47 : memref<10240x128xf32, #tpu.memory_space<vmem_shared>>) offsets(%dma_start3A_44 : memref<128xi32, #tpu.memory_space<vmem>>) semaphore(%run_scoped3A : memref<!tpu.dma_semaphore, #tpu.memory_space<semaphore_mem>>) {add = true}
        %dma_wait3A_48 = arith.constant 0 : i32
        %dma_wait3A_49 = tpu.memref_slice %arg7[%scan3A_29, %dma_wait3A_48] : memref<40x128xi32, #tpu.memory_space<vmem>> -> memref<1x128xi32, #tpu.memory_space<vmem>>
        %dma_wait3A_50 = tpu.memref_squeeze %dma_wait3A_49 : memref<1x128xi32, #tpu.memory_space<vmem>> -> memref<128xi32, #tpu.memory_space<vmem>>
        %dma_wait3A_51 = arith.constant 0 : i32
        %dma_wait3A_52 = arith.constant 0 : i32
        %dma_wait3A_53 = tpu.memref_slice %arg10[%dma_wait3A_51, %dma_wait3A_52] : memref<10240x128xf32, #tpu.memory_space<vmem_shared>> -> memref<10240x128xf32, #tpu.memory_space<vmem_shared>>
        tpu.wait_indirect_dma semaphore(%run_scoped3A : memref<!tpu.dma_semaphore, #tpu.memory_space<semaphore_mem>>) src(%arg8 : memref<128x128xf32, #tpu.memory_space<vmem>>) dst(%dma_wait3A_53 : memref<10240x128xf32, #tpu.memory_space<vmem_shared>>)
        tpu.yield
      }) : () -> ()
      %scan3A_41 = arith.constant 0 : i32
      scf.yield %scan3A_41 : i32
    }
    %scan3A_20 = arith.constant 40 : i32
    %barrier3A_21 = arith.constant 0 : index
    tpu.barrier barrier_id(%barrier3A_21)
    %mul3A_22 = arith.constant 640 : i32
    %mul3A_23 = arith.muli %arg1, %mul3A_22 : i32
    %mul3A_24 = arith.constant 10240 : i32
    %mul3A_25 = arith.muli %arg0, %mul3A_24 : i32
    %mul3A_26 = arith.constant 640 : i32
    %mul3A_27 = arith.muli %arg1, %mul3A_26 : i32
    %add3A_28 = arith.addi %mul3A_25, %mul3A_27 : i32
    "tpu.region"() ({
      %run_scoped3A = tpu.sem_alloc : memref<!tpu.dma_semaphore, #tpu.memory_space<semaphore_mem>>
      %dma_start3A = arith.constant 0 : i32
      %dma_start3A_29 = tpu.memref_slice %arg5[%add3A_28, %dma_start3A] : memref<20480x128xf32, #tpu.memory_space<hbm>> -> memref<640x128xf32, #tpu.memory_space<hbm>>
      %dma_start3A_30 = arith.constant 0 : i32
      %dma_start3A_31 = tpu.memref_slice %arg10[%mul3A_23, %dma_start3A_30] : memref<10240x128xf32, #tpu.memory_space<vmem_shared>> -> memref<640x128xf32, #tpu.memory_space<vmem_shared>>
      tpu.enqueue_dma source(%dma_start3A_31 : memref<640x128xf32, #tpu.memory_space<vmem_shared>>) target(%dma_start3A_29 : memref<640x128xf32, #tpu.memory_space<hbm>>) target_semaphore(%run_scoped3A : memref<!tpu.dma_semaphore, #tpu.memory_space<semaphore_mem>>)
      %dma_wait3A = arith.constant 0 : i32
      %dma_wait3A_32 = tpu.memref_slice %arg5[%add3A_28, %dma_wait3A] : memref<20480x128xf32, #tpu.memory_space<hbm>> -> memref<640x128xf32, #tpu.memory_space<hbm>>
      %dma_wait3A_33 = arith.constant 0 : i32
      %dma_wait3A_34 = tpu.memref_slice %arg10[%mul3A_23, %dma_wait3A_33] : memref<10240x128xf32, #tpu.memory_space<vmem_shared>> -> memref<640x128xf32, #tpu.memory_space<vmem_shared>>
      tpu.wait_dma2 semaphore(%run_scoped3A : memref<!tpu.dma_semaphore, #tpu.memory_space<semaphore_mem>>) src(%dma_wait3A_34 : memref<640x128xf32, #tpu.memory_space<vmem_shared>>) dst(%dma_wait3A_32 : memref<640x128xf32, #tpu.memory_space<hbm>>)
      tpu.yield
    }) : () -> ()
    return
  }
}

#map = affine_map<(d0, d1) -> (0, 0)>
#map1 = affine_map<(d0, d1) -> (0, 0, 0)>
module attributes {stable_mosaic.version = 14 : i64} {
  func.func @_prop1_body(%arg0: i32, %arg1: i32, %arg2: memref<40960x128xf32, #tpu.memory_space<hbm>>, %arg3: memref<16x80x128xi32, #tpu.memory_space<hbm>>, %arg4: memref<16x80x128xi32, #tpu.memory_space<hbm>>, %arg5: memref<40960x128xf32, #tpu.memory_space<hbm>>, %arg6: memref<80x128xi32, #tpu.memory_space<vmem>>, %arg7: memref<80x128xi32, #tpu.memory_space<vmem>>, %arg8: memref<128xi32, #tpu.memory_space<vmem>>, %arg9: memref<128x128xf32, #tpu.memory_space<vmem>>, %arg10: memref<64x128xf32, #tpu.memory_space<vmem>>, %arg11: memref<10240x128xf32, #tpu.memory_space<vmem_shared>>, %arg12: memref<!tpu.dma_semaphore, #tpu.memory_space<semaphore_mem>>) attributes {dimension_semantics = [#tpu.dimension_semantics<core_parallel>, #tpu.dimension_semantics<subcore_parallel>], iteration_bounds = array<i64: 2, 16>, scalar_prefetch = 0 : i64, scratch_operands = 7 : i64, tpu.core_type = #tpu.core_type<sc_vector_subcore>, window_params = [{transform_indices = #map}, {transform_indices = #map1}, {transform_indices = #map1}, {transform_indices = #map}]} {
    "tpu.region"() ({
      %run_scoped3A = tpu.sem_alloc : memref<!tpu.dma_semaphore, #tpu.memory_space<semaphore_mem>>
      %dma_start3A = arith.constant 0 : i32
      %dma_start3A_57 = arith.constant 0 : i32
      %dma_start3A_58 = tpu.memref_slice %arg3[%arg1, %dma_start3A, %dma_start3A_57] : memref<16x80x128xi32, #tpu.memory_space<hbm>> -> memref<1x80x128xi32, #tpu.memory_space<hbm>>
      %dma_start3A_59 = tpu.memref_squeeze %dma_start3A_58 : memref<1x80x128xi32, #tpu.memory_space<hbm>> -> memref<80x128xi32, #tpu.memory_space<hbm>>
      %dma_start3A_60 = arith.constant 0 : i32
      %dma_start3A_61 = arith.constant 0 : i32
      %dma_start3A_62 = tpu.memref_slice %arg3[%arg1, %dma_start3A_60, %dma_start3A_61] : memref<16x80x128xi32, #tpu.memory_space<hbm>> -> memref<1x80x128xi32, #tpu.memory_space<hbm>>
      %dma_start3A_63 = tpu.memref_squeeze %dma_start3A_62 : memref<1x80x128xi32, #tpu.memory_space<hbm>> -> memref<80x128xi32, #tpu.memory_space<hbm>>
      tpu.enqueue_dma source(%dma_start3A_63 : memref<80x128xi32, #tpu.memory_space<hbm>>) target(%arg6 : memref<80x128xi32, #tpu.memory_space<vmem>>) target_semaphore(%run_scoped3A : memref<!tpu.dma_semaphore, #tpu.memory_space<semaphore_mem>>)
      %dma_wait3A = arith.constant 0 : i32
      %dma_wait3A_64 = arith.constant 0 : i32
      %dma_wait3A_65 = tpu.memref_slice %arg3[%arg1, %dma_wait3A, %dma_wait3A_64] : memref<16x80x128xi32, #tpu.memory_space<hbm>> -> memref<1x80x128xi32, #tpu.memory_space<hbm>>
      %dma_wait3A_66 = tpu.memref_squeeze %dma_wait3A_65 : memref<1x80x128xi32, #tpu.memory_space<hbm>> -> memref<80x128xi32, #tpu.memory_space<hbm>>
      %dma_wait3A_67 = arith.constant 0 : i32
      %dma_wait3A_68 = arith.constant 0 : i32
      %dma_wait3A_69 = tpu.memref_slice %arg3[%arg1, %dma_wait3A_67, %dma_wait3A_68] : memref<16x80x128xi32, #tpu.memory_space<hbm>> -> memref<1x80x128xi32, #tpu.memory_space<hbm>>
      %dma_wait3A_70 = tpu.memref_squeeze %dma_wait3A_69 : memref<1x80x128xi32, #tpu.memory_space<hbm>> -> memref<80x128xi32, #tpu.memory_space<hbm>>
      tpu.wait_dma2 semaphore(%run_scoped3A : memref<!tpu.dma_semaphore, #tpu.memory_space<semaphore_mem>>) src(%dma_wait3A_70 : memref<80x128xi32, #tpu.memory_space<hbm>>) dst(%arg6 : memref<80x128xi32, #tpu.memory_space<vmem>>)
      tpu.yield
    }) : () -> ()
    "tpu.region"() ({
      %run_scoped3A = tpu.sem_alloc : memref<!tpu.dma_semaphore, #tpu.memory_space<semaphore_mem>>
      %dma_start3A = arith.constant 0 : i32
      %dma_start3A_57 = arith.constant 0 : i32
      %dma_start3A_58 = tpu.memref_slice %arg4[%arg1, %dma_start3A, %dma_start3A_57] : memref<16x80x128xi32, #tpu.memory_space<hbm>> -> memref<1x80x128xi32, #tpu.memory_space<hbm>>
      %dma_start3A_59 = tpu.memref_squeeze %dma_start3A_58 : memref<1x80x128xi32, #tpu.memory_space<hbm>> -> memref<80x128xi32, #tpu.memory_space<hbm>>
      %dma_start3A_60 = arith.constant 0 : i32
      %dma_start3A_61 = arith.constant 0 : i32
      %dma_start3A_62 = tpu.memref_slice %arg4[%arg1, %dma_start3A_60, %dma_start3A_61] : memref<16x80x128xi32, #tpu.memory_space<hbm>> -> memref<1x80x128xi32, #tpu.memory_space<hbm>>
      %dma_start3A_63 = tpu.memref_squeeze %dma_start3A_62 : memref<1x80x128xi32, #tpu.memory_space<hbm>> -> memref<80x128xi32, #tpu.memory_space<hbm>>
      tpu.enqueue_dma source(%dma_start3A_63 : memref<80x128xi32, #tpu.memory_space<hbm>>) target(%arg7 : memref<80x128xi32, #tpu.memory_space<vmem>>) target_semaphore(%run_scoped3A : memref<!tpu.dma_semaphore, #tpu.memory_space<semaphore_mem>>)
      %dma_wait3A = arith.constant 0 : i32
      %dma_wait3A_64 = arith.constant 0 : i32
      %dma_wait3A_65 = tpu.memref_slice %arg4[%arg1, %dma_wait3A, %dma_wait3A_64] : memref<16x80x128xi32, #tpu.memory_space<hbm>> -> memref<1x80x128xi32, #tpu.memory_space<hbm>>
      %dma_wait3A_66 = tpu.memref_squeeze %dma_wait3A_65 : memref<1x80x128xi32, #tpu.memory_space<hbm>> -> memref<80x128xi32, #tpu.memory_space<hbm>>
      %dma_wait3A_67 = arith.constant 0 : i32
      %dma_wait3A_68 = arith.constant 0 : i32
      %dma_wait3A_69 = tpu.memref_slice %arg4[%arg1, %dma_wait3A_67, %dma_wait3A_68] : memref<16x80x128xi32, #tpu.memory_space<hbm>> -> memref<1x80x128xi32, #tpu.memory_space<hbm>>
      %dma_wait3A_70 = tpu.memref_squeeze %dma_wait3A_69 : memref<1x80x128xi32, #tpu.memory_space<hbm>> -> memref<80x128xi32, #tpu.memory_space<hbm>>
      tpu.wait_dma2 semaphore(%run_scoped3A : memref<!tpu.dma_semaphore, #tpu.memory_space<semaphore_mem>>) src(%dma_wait3A_70 : memref<80x128xi32, #tpu.memory_space<hbm>>) dst(%arg7 : memref<80x128xi32, #tpu.memory_space<vmem>>)
      tpu.yield
    }) : () -> ()
    %scan3A = arith.constant 0 : i32
    %scan3A_0 = arith.constant 0 : i32
    %scan3A_1 = arith.constant 64 : i32
    %scan3A_2 = arith.addi %scan3A_0, %scan3A_1 : i32
    %scan3A_3 = arith.constant 1 : i32
    %scan3A_4 = scf.for %scan3A_57 = %scan3A_0 to %scan3A_2 step %scan3A_3 iter_args(%scan3A_58 = %scan3A) -> (i32)  : i32 {
      %scan3A_59 = arith.constant 0 : i32
      %scan3A_60 = arith.constant 0 : i32
      %scan3A_61 = arith.constant 8 : i32
      %scan3A_62 = arith.addi %scan3A_60, %scan3A_61 : i32
      %scan3A_63 = arith.constant 1 : i32
      %scan3A_64 = scf.for %scan3A_67 = %scan3A_60 to %scan3A_62 step %scan3A_63 iter_args(%scan3A_68 = %scan3A_59) -> (i32)  : i32 {
        %broadcast_in_dim3A = arith.constant 0.000000e+00 : f32
        %broadcast_in_dim3A_69 = vector.broadcast %broadcast_in_dim3A : f32 to vector<16xf32>
        %mul3A_70 = arith.constant 16 : i32
        %mul3A_71 = arith.muli %scan3A_67, %mul3A_70 : i32
        %swap3A = arith.index_cast %scan3A_57 : i32 to index
        %swap3A_72 = arith.index_cast %mul3A_71 : i32 to index
        %swap3A_73 = tpu.vector_load %arg10[%swap3A, %swap3A_72] {strides = array<i32>} : memref<64x128xf32, #tpu.memory_space<vmem>>, vector<1x16xf32>,
        %swap3A_74 = vector.shape_cast %swap3A_73 : vector<1x16xf32> to vector<16xf32>
        %swap3A_75 = vector.shape_cast %broadcast_in_dim3A_69 : vector<16xf32> to vector<1x16xf32>
        tpu.vector_store %arg10[%swap3A, %swap3A_72], %swap3A_75 {strides = array<i32>} : memref<64x128xf32, #tpu.memory_space<vmem>>, vector<1x16xf32>,
        %scan3A_76 = arith.constant 0 : i32
        scf.yield %scan3A_76 : i32
      }
      %scan3A_65 = arith.constant 8 : i32
      %scan3A_66 = arith.constant 0 : i32
      scf.yield %scan3A_66 : i32
    }
    %scan3A_5 = arith.constant 64 : i32
    %mul3A = arith.constant 2 : i32
    %mul3A_6 = arith.muli %arg0, %mul3A : i32
    %add3A = arith.constant 0 : i32
    %add3A_7 = arith.addi %mul3A_6, %add3A : i32
    %mul3A_8 = arith.constant 10240 : i32
    %mul3A_9 = arith.muli %add3A_7, %mul3A_8 : i32
    %scan3A_10 = arith.constant 0 : i32
    %scan3A_11 = arith.constant 0 : i32
    %scan3A_12 = arith.constant 10 : i32
    %scan3A_13 = arith.addi %scan3A_11, %scan3A_12 : i32
    %scan3A_14 = arith.constant 1 : i32
    %scan3A_15 = scf.for %scan3A_57 = %scan3A_11 to %scan3A_13 step %scan3A_14 iter_args(%scan3A_58 = %scan3A_10) -> (i32)  : i32 {
      %mul3A_59 = arith.constant 640 : i32
      %mul3A_60 = arith.muli %arg1, %mul3A_59 : i32
      %mul3A_61 = arith.constant 64 : i32
      %mul3A_62 = arith.muli %scan3A_57, %mul3A_61 : i32
      %add3A_63 = arith.addi %mul3A_60, %mul3A_62 : i32
      "tpu.region"() ({
        %run_scoped3A = tpu.sem_alloc : memref<!tpu.dma_semaphore, #tpu.memory_space<semaphore_mem>>
        %dma_start3A = arith.constant 0 : i32
        %dma_start3A_65 = tpu.memref_slice %arg11[%add3A_63, %dma_start3A] : memref<10240x128xf32, #tpu.memory_space<vmem_shared>> -> memref<64x128xf32, #tpu.memory_space<vmem_shared>>
        %dma_start3A_66 = arith.constant 0 : i32
        %dma_start3A_67 = tpu.memref_slice %arg11[%add3A_63, %dma_start3A_66] : memref<10240x128xf32, #tpu.memory_space<vmem_shared>> -> memref<64x128xf32, #tpu.memory_space<vmem_shared>>
        tpu.enqueue_dma source(%arg10 : memref<64x128xf32, #tpu.memory_space<vmem>>) target(%dma_start3A_67 : memref<64x128xf32, #tpu.memory_space<vmem_shared>>) target_semaphore(%run_scoped3A : memref<!tpu.dma_semaphore, #tpu.memory_space<semaphore_mem>>)
        %dma_wait3A = arith.constant 0 : i32
        %dma_wait3A_68 = tpu.memref_slice %arg11[%add3A_63, %dma_wait3A] : memref<10240x128xf32, #tpu.memory_space<vmem_shared>> -> memref<64x128xf32, #tpu.memory_space<vmem_shared>>
        %dma_wait3A_69 = arith.constant 0 : i32
        %dma_wait3A_70 = tpu.memref_slice %arg11[%add3A_63, %dma_wait3A_69] : memref<10240x128xf32, #tpu.memory_space<vmem_shared>> -> memref<64x128xf32, #tpu.memory_space<vmem_shared>>
        tpu.wait_dma2 semaphore(%run_scoped3A : memref<!tpu.dma_semaphore, #tpu.memory_space<semaphore_mem>>) src(%arg10 : memref<64x128xf32, #tpu.memory_space<vmem>>) dst(%dma_wait3A_70 : memref<64x128xf32, #tpu.memory_space<vmem_shared>>)
        tpu.yield
      }) : () -> ()
      %scan3A_64 = arith.constant 0 : i32
      scf.yield %scan3A_64 : i32
    }
    %scan3A_16 = arith.constant 10 : i32
    %barrier3A = arith.constant 0 : index
    tpu.barrier barrier_id(%barrier3A)
    %scan3A_17 = arith.constant 0 : i32
    %scan3A_18 = arith.constant 0 : i32
    %scan3A_19 = arith.constant 80 : i32
    %scan3A_20 = arith.addi %scan3A_18, %scan3A_19 : i32
    %scan3A_21 = arith.constant 1 : i32
    %scan3A_22 = scf.for %scan3A_57 = %scan3A_18 to %scan3A_20 step %scan3A_21 iter_args(%scan3A_58 = %scan3A_17) -> (i32)  : i32 {
      %get3A = arith.index_cast %scan3A_57 : i32 to index
      %get3A_59 = arith.constant 0 : index
      %get3A_60 = tpu.vector_load %arg6[%get3A, %get3A_59] {strides = array<i32>} : memref<80x128xi32, #tpu.memory_space<vmem>>, vector<1x16xi32>,
      %get3A_61 = vector.shape_cast %get3A_60 : vector<1x16xi32> to vector<16xi32>
      %add3A_62 = vector.broadcast %mul3A_9 : i32 to vector<16xi32>
      %add3A_63 = arith.addi %get3A_61, %add3A_62 : vector<16xi32>
      %swap3A = arith.constant 0 : index
      %swap3A_64 = tpu.vector_load %arg8[%swap3A] {strides = array<i32>} : memref<128xi32, #tpu.memory_space<vmem>>, vector<16xi32>,
      %swap3A_65 = vector.shape_cast %swap3A_64 : vector<16xi32> to vector<16xi32>
      %swap3A_66 = vector.shape_cast %add3A_63 : vector<16xi32> to vector<16xi32>
      tpu.vector_store %arg8[%swap3A], %swap3A_66 {strides = array<i32>} : memref<128xi32, #tpu.memory_space<vmem>>, vector<16xi32>,
      %get3A_67 = arith.index_cast %scan3A_57 : i32 to index
      %get3A_68 = arith.constant 16 : index
      %get3A_69 = tpu.vector_load %arg6[%get3A_67, %get3A_68] {strides = array<i32>} : memref<80x128xi32, #tpu.memory_space<vmem>>, vector<1x16xi32>,
      %get3A_70 = vector.shape_cast %get3A_69 : vector<1x16xi32> to vector<16xi32>
      %add3A_71 = vector.broadcast %mul3A_9 : i32 to vector<16xi32>
      %add3A_72 = arith.addi %get3A_70, %add3A_71 : vector<16xi32>
      %swap3A_73 = arith.constant 16 : index
      %swap3A_74 = tpu.vector_load %arg8[%swap3A_73] {strides = array<i32>} : memref<128xi32, #tpu.memory_space<vmem>>, vector<16xi32>,
      %swap3A_75 = vector.shape_cast %swap3A_74 : vector<16xi32> to vector<16xi32>
      %swap3A_76 = vector.shape_cast %add3A_72 : vector<16xi32> to vector<16xi32>
      tpu.vector_store %arg8[%swap3A_73], %swap3A_76 {strides = array<i32>} : memref<128xi32, #tpu.memory_space<vmem>>, vector<16xi32>,
      %get3A_77 = arith.index_cast %scan3A_57 : i32 to index
      %get3A_78 = arith.constant 32 : index
      %get3A_79 = tpu.vector_load %arg6[%get3A_77, %get3A_78] {strides = array<i32>} : memref<80x128xi32, #tpu.memory_space<vmem>>, vector<1x16xi32>,
      %get3A_80 = vector.shape_cast %get3A_79 : vector<1x16xi32> to vector<16xi32>
      %add3A_81 = vector.broadcast %mul3A_9 : i32 to vector<16xi32>
      %add3A_82 = arith.addi %get3A_80, %add3A_81 : vector<16xi32>
      %swap3A_83 = arith.constant 32 : index
      %swap3A_84 = tpu.vector_load %arg8[%swap3A_83] {strides = array<i32>} : memref<128xi32, #tpu.memory_space<vmem>>, vector<16xi32>,
      %swap3A_85 = vector.shape_cast %swap3A_84 : vector<16xi32> to vector<16xi32>
      %swap3A_86 = vector.shape_cast %add3A_82 : vector<16xi32> to vector<16xi32>
      tpu.vector_store %arg8[%swap3A_83], %swap3A_86 {strides = array<i32>} : memref<128xi32, #tpu.memory_space<vmem>>, vector<16xi32>,
      %get3A_87 = arith.index_cast %scan3A_57 : i32 to index
      %get3A_88 = arith.constant 48 : index
      %get3A_89 = tpu.vector_load %arg6[%get3A_87, %get3A_88] {strides = array<i32>} : memref<80x128xi32, #tpu.memory_space<vmem>>, vector<1x16xi32>,
      %get3A_90 = vector.shape_cast %get3A_89 : vector<1x16xi32> to vector<16xi32>
      %add3A_91 = vector.broadcast %mul3A_9 : i32 to vector<16xi32>
      %add3A_92 = arith.addi %get3A_90, %add3A_91 : vector<16xi32>
      %swap3A_93 = arith.constant 48 : index
      %swap3A_94 = tpu.vector_load %arg8[%swap3A_93] {strides = array<i32>} : memref<128xi32, #tpu.memory_space<vmem>>, vector<16xi32>,
      %swap3A_95 = vector.shape_cast %swap3A_94 : vector<16xi32> to vector<16xi32>
      %swap3A_96 = vector.shape_cast %add3A_92 : vector<16xi32> to vector<16xi32>
      tpu.vector_store %arg8[%swap3A_93], %swap3A_96 {strides = array<i32>} : memref<128xi32, #tpu.memory_space<vmem>>, vector<16xi32>,
      %get3A_97 = arith.index_cast %scan3A_57 : i32 to index
      %get3A_98 = arith.constant 64 : index
      %get3A_99 = tpu.vector_load %arg6[%get3A_97, %get3A_98] {strides = array<i32>} : memref<80x128xi32, #tpu.memory_space<vmem>>, vector<1x16xi32>,
      %get3A_100 = vector.shape_cast %get3A_99 : vector<1x16xi32> to vector<16xi32>
      %add3A_101 = vector.broadcast %mul3A_9 : i32 to vector<16xi32>
      %add3A_102 = arith.addi %get3A_100, %add3A_101 : vector<16xi32>
      %swap3A_103 = arith.constant 64 : index
      %swap3A_104 = tpu.vector_load %arg8[%swap3A_103] {strides = array<i32>} : memref<128xi32, #tpu.memory_space<vmem>>, vector<16xi32>,
      %swap3A_105 = vector.shape_cast %swap3A_104 : vector<16xi32> to vector<16xi32>
      %swap3A_106 = vector.shape_cast %add3A_102 : vector<16xi32> to vector<16xi32>
      tpu.vector_store %arg8[%swap3A_103], %swap3A_106 {strides = array<i32>} : memref<128xi32, #tpu.memory_space<vmem>>, vector<16xi32>,
      %get3A_107 = arith.index_cast %scan3A_57 : i32 to index
      %get3A_108 = arith.constant 80 : index
      %get3A_109 = tpu.vector_load %arg6[%get3A_107, %get3A_108] {strides = array<i32>} : memref<80x128xi32, #tpu.memory_space<vmem>>, vector<1x16xi32>,
      %get3A_110 = vector.shape_cast %get3A_109 : vector<1x16xi32> to vector<16xi32>
      %add3A_111 = vector.broadcast %mul3A_9 : i32 to vector<16xi32>
      %add3A_112 = arith.addi %get3A_110, %add3A_111 : vector<16xi32>
      %swap3A_113 = arith.constant 80 : index
      %swap3A_114 = tpu.vector_load %arg8[%swap3A_113] {strides = array<i32>} : memref<128xi32, #tpu.memory_space<vmem>>, vector<16xi32>,
      %swap3A_115 = vector.shape_cast %swap3A_114 : vector<16xi32> to vector<16xi32>
      %swap3A_116 = vector.shape_cast %add3A_112 : vector<16xi32> to vector<16xi32>
      tpu.vector_store %arg8[%swap3A_113], %swap3A_116 {strides = array<i32>} : memref<128xi32, #tpu.memory_space<vmem>>, vector<16xi32>,
      %get3A_117 = arith.index_cast %scan3A_57 : i32 to index
      %get3A_118 = arith.constant 96 : index
      %get3A_119 = tpu.vector_load %arg6[%get3A_117, %get3A_118] {strides = array<i32>} : memref<80x128xi32, #tpu.memory_space<vmem>>, vector<1x16xi32>,
      %get3A_120 = vector.shape_cast %get3A_119 : vector<1x16xi32> to vector<16xi32>
      %add3A_121 = vector.broadcast %mul3A_9 : i32 to vector<16xi32>
      %add3A_122 = arith.addi %get3A_120, %add3A_121 : vector<16xi32>
      %swap3A_123 = arith.constant 96 : index
      %swap3A_124 = tpu.vector_load %arg8[%swap3A_123] {strides = array<i32>} : memref<128xi32, #tpu.memory_space<vmem>>, vector<16xi32>,
      %swap3A_125 = vector.shape_cast %swap3A_124 : vector<16xi32> to vector<16xi32>
      %swap3A_126 = vector.shape_cast %add3A_122 : vector<16xi32> to vector<16xi32>
      tpu.vector_store %arg8[%swap3A_123], %swap3A_126 {strides = array<i32>} : memref<128xi32, #tpu.memory_space<vmem>>, vector<16xi32>,
      %get3A_127 = arith.index_cast %scan3A_57 : i32 to index
      %get3A_128 = arith.constant 112 : index
      %get3A_129 = tpu.vector_load %arg6[%get3A_127, %get3A_128] {strides = array<i32>} : memref<80x128xi32, #tpu.memory_space<vmem>>, vector<1x16xi32>,
      %get3A_130 = vector.shape_cast %get3A_129 : vector<1x16xi32> to vector<16xi32>
      %add3A_131 = vector.broadcast %mul3A_9 : i32 to vector<16xi32>
      %add3A_132 = arith.addi %get3A_130, %add3A_131 : vector<16xi32>
      %swap3A_133 = arith.constant 112 : index
      %swap3A_134 = tpu.vector_load %arg8[%swap3A_133] {strides = array<i32>} : memref<128xi32, #tpu.memory_space<vmem>>, vector<16xi32>,
      %swap3A_135 = vector.shape_cast %swap3A_134 : vector<16xi32> to vector<16xi32>
      %swap3A_136 = vector.shape_cast %add3A_132 : vector<16xi32> to vector<16xi32>
      tpu.vector_store %arg8[%swap3A_133], %swap3A_136 {strides = array<i32>} : memref<128xi32, #tpu.memory_space<vmem>>, vector<16xi32>,
      %dma_start3A = arith.constant 0 : i32
      %dma_start3A_137 = arith.constant 0 : i32
      %dma_start3A_138 = tpu.memref_slice %arg2[%dma_start3A, %dma_start3A_137] : memref<40960x128xf32, #tpu.memory_space<hbm>> -> memref<40960x128xf32, #tpu.memory_space<hbm>>
      tpu.enqueue_indirect_dma source(%dma_start3A_138 : memref<40960x128xf32, #tpu.memory_space<hbm>>) target(%arg9 : memref<128x128xf32, #tpu.memory_space<vmem>>) offsets(%arg8 : memref<128xi32, #tpu.memory_space<vmem>>) semaphore(%arg12 : memref<!tpu.dma_semaphore, #tpu.memory_space<semaphore_mem>>)
      %dma_wait3A = arith.constant 0 : i32
      %dma_wait3A_139 = arith.constant 0 : i32
      %dma_wait3A_140 = tpu.memref_slice %arg2[%dma_wait3A, %dma_wait3A_139] : memref<40960x128xf32, #tpu.memory_space<hbm>> -> memref<40960x128xf32, #tpu.memory_space<hbm>>
      tpu.wait_indirect_dma semaphore(%arg12 : memref<!tpu.dma_semaphore, #tpu.memory_space<semaphore_mem>>) src(%dma_wait3A_140 : memref<40960x128xf32, #tpu.memory_space<hbm>>) dst(%arg9 : memref<128x128xf32, #tpu.memory_space<vmem>>)
      "tpu.region"() ({
        %run_scoped3A = tpu.sem_alloc : memref<!tpu.dma_semaphore, #tpu.memory_space<semaphore_mem>>
        %dma_start3A_142 = arith.constant 0 : i32
        %dma_start3A_143 = tpu.memref_slice %arg7[%scan3A_57, %dma_start3A_142] : memref<80x128xi32, #tpu.memory_space<vmem>> -> memref<1x128xi32, #tpu.memory_space<vmem>>
        %dma_start3A_144 = tpu.memref_squeeze %dma_start3A_143 : memref<1x128xi32, #tpu.memory_space<vmem>> -> memref<128xi32, #tpu.memory_space<vmem>>
        %dma_start3A_145 = arith.constant 0 : i32
        %dma_start3A_146 = arith.constant 0 : i32
        %dma_start3A_147 = tpu.memref_slice %arg11[%dma_start3A_145, %dma_start3A_146] : memref<10240x128xf32, #tpu.memory_space<vmem_shared>> -> memref<10240x128xf32, #tpu.memory_space<vmem_shared>>
        tpu.enqueue_indirect_dma source(%arg9 : memref<128x128xf32, #tpu.memory_space<vmem>>) target(%dma_start3A_147 : memref<10240x128xf32, #tpu.memory_space<vmem_shared>>) offsets(%dma_start3A_144 : memref<128xi32, #tpu.memory_space<vmem>>) semaphore(%run_scoped3A : memref<!tpu.dma_semaphore, #tpu.memory_space<semaphore_mem>>) {add = true}
        %dma_wait3A_148 = arith.constant 0 : i32
        %dma_wait3A_149 = tpu.memref_slice %arg7[%scan3A_57, %dma_wait3A_148] : memref<80x128xi32, #tpu.memory_space<vmem>> -> memref<1x128xi32, #tpu.memory_space<vmem>>
        %dma_wait3A_150 = tpu.memref_squeeze %dma_wait3A_149 : memref<1x128xi32, #tpu.memory_space<vmem>> -> memref<128xi32, #tpu.memory_space<vmem>>
        %dma_wait3A_151 = arith.constant 0 : i32
        %dma_wait3A_152 = arith.constant 0 : i32
        %dma_wait3A_153 = tpu.memref_slice %arg11[%dma_wait3A_151, %dma_wait3A_152] : memref<10240x128xf32, #tpu.memory_space<vmem_shared>> -> memref<10240x128xf32, #tpu.memory_space<vmem_shared>>
        tpu.wait_indirect_dma semaphore(%run_scoped3A : memref<!tpu.dma_semaphore, #tpu.memory_space<semaphore_mem>>) src(%arg9 : memref<128x128xf32, #tpu.memory_space<vmem>>) dst(%dma_wait3A_153 : memref<10240x128xf32, #tpu.memory_space<vmem_shared>>)
        tpu.yield
      }) : () -> ()
      %scan3A_141 = arith.constant 0 : i32
      scf.yield %scan3A_141 : i32
    }
    %scan3A_23 = arith.constant 80 : i32
    %barrier3A_24 = arith.constant 0 : index
    tpu.barrier barrier_id(%barrier3A_24)
    %mul3A_25 = arith.constant 640 : i32
    %mul3A_26 = arith.muli %arg1, %mul3A_25 : i32
    %mul3A_27 = arith.constant 640 : i32
    %mul3A_28 = arith.muli %arg1, %mul3A_27 : i32
    %add3A_29 = arith.addi %mul3A_9, %mul3A_28 : i32
    "tpu.region"() ({
      %run_scoped3A = tpu.sem_alloc : memref<!tpu.dma_semaphore, #tpu.memory_space<semaphore_mem>>
      %dma_start3A = arith.constant 0 : i32
      %dma_start3A_57 = tpu.memref_slice %arg5[%add3A_29, %dma_start3A] : memref<40960x128xf32, #tpu.memory_space<hbm>> -> memref<640x128xf32, #tpu.memory_space<hbm>>
      %dma_start3A_58 = arith.constant 0 : i32
      %dma_start3A_59 = tpu.memref_slice %arg11[%mul3A_26, %dma_start3A_58] : memref<10240x128xf32, #tpu.memory_space<vmem_shared>> -> memref<640x128xf32, #tpu.memory_space<vmem_shared>>
      tpu.enqueue_dma source(%dma_start3A_59 : memref<640x128xf32, #tpu.memory_space<vmem_shared>>) target(%dma_start3A_57 : memref<640x128xf32, #tpu.memory_space<hbm>>) target_semaphore(%run_scoped3A : memref<!tpu.dma_semaphore, #tpu.memory_space<semaphore_mem>>)
      %dma_wait3A = arith.constant 0 : i32
      %dma_wait3A_60 = tpu.memref_slice %arg5[%add3A_29, %dma_wait3A] : memref<40960x128xf32, #tpu.memory_space<hbm>> -> memref<640x128xf32, #tpu.memory_space<hbm>>
      %dma_wait3A_61 = arith.constant 0 : i32
      %dma_wait3A_62 = tpu.memref_slice %arg11[%mul3A_26, %dma_wait3A_61] : memref<10240x128xf32, #tpu.memory_space<vmem_shared>> -> memref<640x128xf32, #tpu.memory_space<vmem_shared>>
      tpu.wait_dma2 semaphore(%run_scoped3A : memref<!tpu.dma_semaphore, #tpu.memory_space<semaphore_mem>>) src(%dma_wait3A_62 : memref<640x128xf32, #tpu.memory_space<vmem_shared>>) dst(%dma_wait3A_60 : memref<640x128xf32, #tpu.memory_space<hbm>>)
      tpu.yield
    }) : () -> ()
    %mul3A_30 = arith.constant 2 : i32
    %mul3A_31 = arith.muli %arg0, %mul3A_30 : i32
    %add3A_32 = arith.constant 1 : i32
    %add3A_33 = arith.addi %mul3A_31, %add3A_32 : i32
    %mul3A_34 = arith.constant 10240 : i32
    %mul3A_35 = arith.muli %add3A_33, %mul3A_34 : i32
    %scan3A_36 = arith.constant 0 : i32
    %scan3A_37 = arith.constant 0 : i32
    %scan3A_38 = arith.constant 10 : i32
    %scan3A_39 = arith.addi %scan3A_37, %scan3A_38 : i32
    %scan3A_40 = arith.constant 1 : i32
    %scan3A_41 = scf.for %scan3A_57 = %scan3A_37 to %scan3A_39 step %scan3A_40 iter_args(%scan3A_58 = %scan3A_36) -> (i32)  : i32 {
      %mul3A_59 = arith.constant 640 : i32
      %mul3A_60 = arith.muli %arg1, %mul3A_59 : i32
      %mul3A_61 = arith.constant 64 : i32
      %mul3A_62 = arith.muli %scan3A_57, %mul3A_61 : i32
      %add3A_63 = arith.addi %mul3A_60, %mul3A_62 : i32
      "tpu.region"() ({
        %run_scoped3A = tpu.sem_alloc : memref<!tpu.dma_semaphore, #tpu.memory_space<semaphore_mem>>
        %dma_start3A = arith.constant 0 : i32
        %dma_start3A_65 = tpu.memref_slice %arg11[%add3A_63, %dma_start3A] : memref<10240x128xf32, #tpu.memory_space<vmem_shared>> -> memref<64x128xf32, #tpu.memory_space<vmem_shared>>
        %dma_start3A_66 = arith.constant 0 : i32
        %dma_start3A_67 = tpu.memref_slice %arg11[%add3A_63, %dma_start3A_66] : memref<10240x128xf32, #tpu.memory_space<vmem_shared>> -> memref<64x128xf32, #tpu.memory_space<vmem_shared>>
        tpu.enqueue_dma source(%arg10 : memref<64x128xf32, #tpu.memory_space<vmem>>) target(%dma_start3A_67 : memref<64x128xf32, #tpu.memory_space<vmem_shared>>) target_semaphore(%run_scoped3A : memref<!tpu.dma_semaphore, #tpu.memory_space<semaphore_mem>>)
        %dma_wait3A = arith.constant 0 : i32
        %dma_wait3A_68 = tpu.memref_slice %arg11[%add3A_63, %dma_wait3A] : memref<10240x128xf32, #tpu.memory_space<vmem_shared>> -> memref<64x128xf32, #tpu.memory_space<vmem_shared>>
        %dma_wait3A_69 = arith.constant 0 : i32
        %dma_wait3A_70 = tpu.memref_slice %arg11[%add3A_63, %dma_wait3A_69] : memref<10240x128xf32, #tpu.memory_space<vmem_shared>> -> memref<64x128xf32, #tpu.memory_space<vmem_shared>>
        tpu.wait_dma2 semaphore(%run_scoped3A : memref<!tpu.dma_semaphore, #tpu.memory_space<semaphore_mem>>) src(%arg10 : memref<64x128xf32, #tpu.memory_space<vmem>>) dst(%dma_wait3A_70 : memref<64x128xf32, #tpu.memory_space<vmem_shared>>)
        tpu.yield
      }) : () -> ()
      %scan3A_64 = arith.constant 0 : i32
      scf.yield %scan3A_64 : i32
    }
    %scan3A_42 = arith.constant 10 : i32
    %barrier3A_43 = arith.constant 0 : index
    tpu.barrier barrier_id(%barrier3A_43)
    %scan3A_44 = arith.constant 0 : i32
    %scan3A_45 = arith.constant 0 : i32
    %scan3A_46 = arith.constant 80 : i32
    %scan3A_47 = arith.addi %scan3A_45, %scan3A_46 : i32
    %scan3A_48 = arith.constant 1 : i32
    %scan3A_49 = scf.for %scan3A_57 = %scan3A_45 to %scan3A_47 step %scan3A_48 iter_args(%scan3A_58 = %scan3A_44) -> (i32)  : i32 {
      %get3A = arith.index_cast %scan3A_57 : i32 to index
      %get3A_59 = arith.constant 0 : index
      %get3A_60 = tpu.vector_load %arg6[%get3A, %get3A_59] {strides = array<i32>} : memref<80x128xi32, #tpu.memory_space<vmem>>, vector<1x16xi32>,
      %get3A_61 = vector.shape_cast %get3A_60 : vector<1x16xi32> to vector<16xi32>
      %add3A_62 = vector.broadcast %mul3A_35 : i32 to vector<16xi32>
      %add3A_63 = arith.addi %get3A_61, %add3A_62 : vector<16xi32>
      %swap3A = arith.constant 0 : index
      %swap3A_64 = tpu.vector_load %arg8[%swap3A] {strides = array<i32>} : memref<128xi32, #tpu.memory_space<vmem>>, vector<16xi32>,
      %swap3A_65 = vector.shape_cast %swap3A_64 : vector<16xi32> to vector<16xi32>
      %swap3A_66 = vector.shape_cast %add3A_63 : vector<16xi32> to vector<16xi32>
      tpu.vector_store %arg8[%swap3A], %swap3A_66 {strides = array<i32>} : memref<128xi32, #tpu.memory_space<vmem>>, vector<16xi32>,
      %get3A_67 = arith.index_cast %scan3A_57 : i32 to index
      %get3A_68 = arith.constant 16 : index
      %get3A_69 = tpu.vector_load %arg6[%get3A_67, %get3A_68] {strides = array<i32>} : memref<80x128xi32, #tpu.memory_space<vmem>>, vector<1x16xi32>,
      %get3A_70 = vector.shape_cast %get3A_69 : vector<1x16xi32> to vector<16xi32>
      %add3A_71 = vector.broadcast %mul3A_35 : i32 to vector<16xi32>
      %add3A_72 = arith.addi %get3A_70, %add3A_71 : vector<16xi32>
      %swap3A_73 = arith.constant 16 : index
      %swap3A_74 = tpu.vector_load %arg8[%swap3A_73] {strides = array<i32>} : memref<128xi32, #tpu.memory_space<vmem>>, vector<16xi32>,
      %swap3A_75 = vector.shape_cast %swap3A_74 : vector<16xi32> to vector<16xi32>
      %swap3A_76 = vector.shape_cast %add3A_72 : vector<16xi32> to vector<16xi32>
      tpu.vector_store %arg8[%swap3A_73], %swap3A_76 {strides = array<i32>} : memref<128xi32, #tpu.memory_space<vmem>>, vector<16xi32>,
      %get3A_77 = arith.index_cast %scan3A_57 : i32 to index
      %get3A_78 = arith.constant 32 : index
      %get3A_79 = tpu.vector_load %arg6[%get3A_77, %get3A_78] {strides = array<i32>} : memref<80x128xi32, #tpu.memory_space<vmem>>, vector<1x16xi32>,
      %get3A_80 = vector.shape_cast %get3A_79 : vector<1x16xi32> to vector<16xi32>
      %add3A_81 = vector.broadcast %mul3A_35 : i32 to vector<16xi32>
      %add3A_82 = arith.addi %get3A_80, %add3A_81 : vector<16xi32>
      %swap3A_83 = arith.constant 32 : index
      %swap3A_84 = tpu.vector_load %arg8[%swap3A_83] {strides = array<i32>} : memref<128xi32, #tpu.memory_space<vmem>>, vector<16xi32>,
      %swap3A_85 = vector.shape_cast %swap3A_84 : vector<16xi32> to vector<16xi32>
      %swap3A_86 = vector.shape_cast %add3A_82 : vector<16xi32> to vector<16xi32>
      tpu.vector_store %arg8[%swap3A_83], %swap3A_86 {strides = array<i32>} : memref<128xi32, #tpu.memory_space<vmem>>, vector<16xi32>,
      %get3A_87 = arith.index_cast %scan3A_57 : i32 to index
      %get3A_88 = arith.constant 48 : index
      %get3A_89 = tpu.vector_load %arg6[%get3A_87, %get3A_88] {strides = array<i32>} : memref<80x128xi32, #tpu.memory_space<vmem>>, vector<1x16xi32>,
      %get3A_90 = vector.shape_cast %get3A_89 : vector<1x16xi32> to vector<16xi32>
      %add3A_91 = vector.broadcast %mul3A_35 : i32 to vector<16xi32>
      %add3A_92 = arith.addi %get3A_90, %add3A_91 : vector<16xi32>
      %swap3A_93 = arith.constant 48 : index
      %swap3A_94 = tpu.vector_load %arg8[%swap3A_93] {strides = array<i32>} : memref<128xi32, #tpu.memory_space<vmem>>, vector<16xi32>,
      %swap3A_95 = vector.shape_cast %swap3A_94 : vector<16xi32> to vector<16xi32>
      %swap3A_96 = vector.shape_cast %add3A_92 : vector<16xi32> to vector<16xi32>
      tpu.vector_store %arg8[%swap3A_93], %swap3A_96 {strides = array<i32>} : memref<128xi32, #tpu.memory_space<vmem>>, vector<16xi32>,
      %get3A_97 = arith.index_cast %scan3A_57 : i32 to index
      %get3A_98 = arith.constant 64 : index
      %get3A_99 = tpu.vector_load %arg6[%get3A_97, %get3A_98] {strides = array<i32>} : memref<80x128xi32, #tpu.memory_space<vmem>>, vector<1x16xi32>,
      %get3A_100 = vector.shape_cast %get3A_99 : vector<1x16xi32> to vector<16xi32>
      %add3A_101 = vector.broadcast %mul3A_35 : i32 to vector<16xi32>
      %add3A_102 = arith.addi %get3A_100, %add3A_101 : vector<16xi32>
      %swap3A_103 = arith.constant 64 : index
      %swap3A_104 = tpu.vector_load %arg8[%swap3A_103] {strides = array<i32>} : memref<128xi32, #tpu.memory_space<vmem>>, vector<16xi32>,
      %swap3A_105 = vector.shape_cast %swap3A_104 : vector<16xi32> to vector<16xi32>
      %swap3A_106 = vector.shape_cast %add3A_102 : vector<16xi32> to vector<16xi32>
      tpu.vector_store %arg8[%swap3A_103], %swap3A_106 {strides = array<i32>} : memref<128xi32, #tpu.memory_space<vmem>>, vector<16xi32>,
      %get3A_107 = arith.index_cast %scan3A_57 : i32 to index
      %get3A_108 = arith.constant 80 : index
      %get3A_109 = tpu.vector_load %arg6[%get3A_107, %get3A_108] {strides = array<i32>} : memref<80x128xi32, #tpu.memory_space<vmem>>, vector<1x16xi32>,
      %get3A_110 = vector.shape_cast %get3A_109 : vector<1x16xi32> to vector<16xi32>
      %add3A_111 = vector.broadcast %mul3A_35 : i32 to vector<16xi32>
      %add3A_112 = arith.addi %get3A_110, %add3A_111 : vector<16xi32>
      %swap3A_113 = arith.constant 80 : index
      %swap3A_114 = tpu.vector_load %arg8[%swap3A_113] {strides = array<i32>} : memref<128xi32, #tpu.memory_space<vmem>>, vector<16xi32>,
      %swap3A_115 = vector.shape_cast %swap3A_114 : vector<16xi32> to vector<16xi32>
      %swap3A_116 = vector.shape_cast %add3A_112 : vector<16xi32> to vector<16xi32>
      tpu.vector_store %arg8[%swap3A_113], %swap3A_116 {strides = array<i32>} : memref<128xi32, #tpu.memory_space<vmem>>, vector<16xi32>,
      %get3A_117 = arith.index_cast %scan3A_57 : i32 to index
      %get3A_118 = arith.constant 96 : index
      %get3A_119 = tpu.vector_load %arg6[%get3A_117, %get3A_118] {strides = array<i32>} : memref<80x128xi32, #tpu.memory_space<vmem>>, vector<1x16xi32>,
      %get3A_120 = vector.shape_cast %get3A_119 : vector<1x16xi32> to vector<16xi32>
      %add3A_121 = vector.broadcast %mul3A_35 : i32 to vector<16xi32>
      %add3A_122 = arith.addi %get3A_120, %add3A_121 : vector<16xi32>
      %swap3A_123 = arith.constant 96 : index
      %swap3A_124 = tpu.vector_load %arg8[%swap3A_123] {strides = array<i32>} : memref<128xi32, #tpu.memory_space<vmem>>, vector<16xi32>,
      %swap3A_125 = vector.shape_cast %swap3A_124 : vector<16xi32> to vector<16xi32>
      %swap3A_126 = vector.shape_cast %add3A_122 : vector<16xi32> to vector<16xi32>
      tpu.vector_store %arg8[%swap3A_123], %swap3A_126 {strides = array<i32>} : memref<128xi32, #tpu.memory_space<vmem>>, vector<16xi32>,
      %get3A_127 = arith.index_cast %scan3A_57 : i32 to index
      %get3A_128 = arith.constant 112 : index
      %get3A_129 = tpu.vector_load %arg6[%get3A_127, %get3A_128] {strides = array<i32>} : memref<80x128xi32, #tpu.memory_space<vmem>>, vector<1x16xi32>,
      %get3A_130 = vector.shape_cast %get3A_129 : vector<1x16xi32> to vector<16xi32>
      %add3A_131 = vector.broadcast %mul3A_35 : i32 to vector<16xi32>
      %add3A_132 = arith.addi %get3A_130, %add3A_131 : vector<16xi32>
      %swap3A_133 = arith.constant 112 : index
      %swap3A_134 = tpu.vector_load %arg8[%swap3A_133] {strides = array<i32>} : memref<128xi32, #tpu.memory_space<vmem>>, vector<16xi32>,
      %swap3A_135 = vector.shape_cast %swap3A_134 : vector<16xi32> to vector<16xi32>
      %swap3A_136 = vector.shape_cast %add3A_132 : vector<16xi32> to vector<16xi32>
      tpu.vector_store %arg8[%swap3A_133], %swap3A_136 {strides = array<i32>} : memref<128xi32, #tpu.memory_space<vmem>>, vector<16xi32>,
      %dma_start3A = arith.constant 0 : i32
      %dma_start3A_137 = arith.constant 0 : i32
      %dma_start3A_138 = tpu.memref_slice %arg2[%dma_start3A, %dma_start3A_137] : memref<40960x128xf32, #tpu.memory_space<hbm>> -> memref<40960x128xf32, #tpu.memory_space<hbm>>
      tpu.enqueue_indirect_dma source(%dma_start3A_138 : memref<40960x128xf32, #tpu.memory_space<hbm>>) target(%arg9 : memref<128x128xf32, #tpu.memory_space<vmem>>) offsets(%arg8 : memref<128xi32, #tpu.memory_space<vmem>>) semaphore(%arg12 : memref<!tpu.dma_semaphore, #tpu.memory_space<semaphore_mem>>)
      %dma_wait3A = arith.constant 0 : i32
      %dma_wait3A_139 = arith.constant 0 : i32
      %dma_wait3A_140 = tpu.memref_slice %arg2[%dma_wait3A, %dma_wait3A_139] : memref<40960x128xf32, #tpu.memory_space<hbm>> -> memref<40960x128xf32, #tpu.memory_space<hbm>>
      tpu.wait_indirect_dma semaphore(%arg12 : memref<!tpu.dma_semaphore, #tpu.memory_space<semaphore_mem>>) src(%dma_wait3A_140 : memref<40960x128xf32, #tpu.memory_space<hbm>>) dst(%arg9 : memref<128x128xf32, #tpu.memory_space<vmem>>)
      "tpu.region"() ({
        %run_scoped3A = tpu.sem_alloc : memref<!tpu.dma_semaphore, #tpu.memory_space<semaphore_mem>>
        %dma_start3A_142 = arith.constant 0 : i32
        %dma_start3A_143 = tpu.memref_slice %arg7[%scan3A_57, %dma_start3A_142] : memref<80x128xi32, #tpu.memory_space<vmem>> -> memref<1x128xi32, #tpu.memory_space<vmem>>
        %dma_start3A_144 = tpu.memref_squeeze %dma_start3A_143 : memref<1x128xi32, #tpu.memory_space<vmem>> -> memref<128xi32, #tpu.memory_space<vmem>>
        %dma_start3A_145 = arith.constant 0 : i32
        %dma_start3A_146 = arith.constant 0 : i32
        %dma_start3A_147 = tpu.memref_slice %arg11[%dma_start3A_145, %dma_start3A_146] : memref<10240x128xf32, #tpu.memory_space<vmem_shared>> -> memref<10240x128xf32, #tpu.memory_space<vmem_shared>>
        tpu.enqueue_indirect_dma source(%arg9 : memref<128x128xf32, #tpu.memory_space<vmem>>) target(%dma_start3A_147 : memref<10240x128xf32, #tpu.memory_space<vmem_shared>>) offsets(%dma_start3A_144 : memref<128xi32, #tpu.memory_space<vmem>>) semaphore(%run_scoped3A : memref<!tpu.dma_semaphore, #tpu.memory_space<semaphore_mem>>) {add = true}
        %dma_wait3A_148 = arith.constant 0 : i32
        %dma_wait3A_149 = tpu.memref_slice %arg7[%scan3A_57, %dma_wait3A_148] : memref<80x128xi32, #tpu.memory_space<vmem>> -> memref<1x128xi32, #tpu.memory_space<vmem>>
        %dma_wait3A_150 = tpu.memref_squeeze %dma_wait3A_149 : memref<1x128xi32, #tpu.memory_space<vmem>> -> memref<128xi32, #tpu.memory_space<vmem>>
        %dma_wait3A_151 = arith.constant 0 : i32
        %dma_wait3A_152 = arith.constant 0 : i32
        %dma_wait3A_153 = tpu.memref_slice %arg11[%dma_wait3A_151, %dma_wait3A_152] : memref<10240x128xf32, #tpu.memory_space<vmem_shared>> -> memref<10240x128xf32, #tpu.memory_space<vmem_shared>>
        tpu.wait_indirect_dma semaphore(%run_scoped3A : memref<!tpu.dma_semaphore, #tpu.memory_space<semaphore_mem>>) src(%arg9 : memref<128x128xf32, #tpu.memory_space<vmem>>) dst(%dma_wait3A_153 : memref<10240x128xf32, #tpu.memory_space<vmem_shared>>)
        tpu.yield
      }) : () -> ()
      %scan3A_141 = arith.constant 0 : i32
      scf.yield %scan3A_141 : i32
    }
    %scan3A_50 = arith.constant 80 : i32
    %barrier3A_51 = arith.constant 0 : index
    tpu.barrier barrier_id(%barrier3A_51)
    %mul3A_52 = arith.constant 640 : i32
    %mul3A_53 = arith.muli %arg1, %mul3A_52 : i32
    %mul3A_54 = arith.constant 640 : i32
    %mul3A_55 = arith.muli %arg1, %mul3A_54 : i32
    %add3A_56 = arith.addi %mul3A_35, %mul3A_55 : i32
    "tpu.region"() ({
      %run_scoped3A = tpu.sem_alloc : memref<!tpu.dma_semaphore, #tpu.memory_space<semaphore_mem>>
      %dma_start3A = arith.constant 0 : i32
      %dma_start3A_57 = tpu.memref_slice %arg5[%add3A_56, %dma_start3A] : memref<40960x128xf32, #tpu.memory_space<hbm>> -> memref<640x128xf32, #tpu.memory_space<hbm>>
      %dma_start3A_58 = arith.constant 0 : i32
      %dma_start3A_59 = tpu.memref_slice %arg11[%mul3A_53, %dma_start3A_58] : memref<10240x128xf32, #tpu.memory_space<vmem_shared>> -> memref<640x128xf32, #tpu.memory_space<vmem_shared>>
      tpu.enqueue_dma source(%dma_start3A_59 : memref<640x128xf32, #tpu.memory_space<vmem_shared>>) target(%dma_start3A_57 : memref<640x128xf32, #tpu.memory_space<hbm>>) target_semaphore(%run_scoped3A : memref<!tpu.dma_semaphore, #tpu.memory_space<semaphore_mem>>)
      %dma_wait3A = arith.constant 0 : i32
      %dma_wait3A_60 = tpu.memref_slice %arg5[%add3A_56, %dma_wait3A] : memref<40960x128xf32, #tpu.memory_space<hbm>> -> memref<640x128xf32, #tpu.memory_space<hbm>>
      %dma_wait3A_61 = arith.constant 0 : i32
      %dma_wait3A_62 = tpu.memref_slice %arg11[%mul3A_53, %dma_wait3A_61] : memref<10240x128xf32, #tpu.memory_space<vmem_shared>> -> memref<640x128xf32, #tpu.memory_space<vmem_shared>>
      tpu.wait_dma2 semaphore(%run_scoped3A : memref<!tpu.dma_semaphore, #tpu.memory_space<semaphore_mem>>) src(%dma_wait3A_62 : memref<640x128xf32, #tpu.memory_space<vmem_shared>>) dst(%dma_wait3A_60 : memref<640x128xf32, #tpu.memory_space<hbm>>)
      tpu.yield
    }) : () -> ()
    return
  }
}

#map = affine_map<(d0, d1) -> (0, 0, 0)>
#map1 = affine_map<(d0, d1) -> (0)>
module attributes {stable_mosaic.version = 14 : i64} {
  func.func @_deg_body(%arg0: i32, %arg1: i32, %arg2: memref<32x40x128xi32, #tpu.memory_space<hbm>>, %arg3: memref<20480xf32, #tpu.memory_space<hbm>>, %arg4: memref<40x128xi32, #tpu.memory_space<vmem>>, %arg5: memref<128xf32, #tpu.memory_space<vmem>>, %arg6: memref<640xf32, #tpu.memory_space<vmem>>, %arg7: memref<10240xf32, #tpu.memory_space<vmem_shared>>) attributes {dimension_semantics = [#tpu.dimension_semantics<core_parallel>, #tpu.dimension_semantics<subcore_parallel>], iteration_bounds = array<i64: 2, 16>, scalar_prefetch = 0 : i64, scratch_operands = 4 : i64, tpu.core_type = #tpu.core_type<sc_vector_subcore>, window_params = [{transform_indices = #map}, {transform_indices = #map1}]} {
    %mul3A = arith.constant 16 : i32
    %mul3A_0 = arith.muli %arg0, %mul3A : i32
    %add3A = arith.addi %mul3A_0, %arg1 : i32
    %scan3A = arith.constant 0 : i32
    %scan3A_1 = arith.constant 0 : i32
    %scan3A_2 = arith.constant 8 : i32
    %scan3A_3 = arith.addi %scan3A_1, %scan3A_2 : i32
    %scan3A_4 = arith.constant 1 : i32
    %scan3A_5 = scf.for %scan3A_31 = %scan3A_1 to %scan3A_3 step %scan3A_4 iter_args(%scan3A_32 = %scan3A) -> (i32)  : i32 {
      %broadcast_in_dim3A = arith.constant 1.000000e+00 : f32
      %broadcast_in_dim3A_33 = vector.broadcast %broadcast_in_dim3A : f32 to vector<16xf32>
      %mul3A_34 = arith.constant 16 : i32
      %mul3A_35 = arith.muli %scan3A_31, %mul3A_34 : i32
      %swap3A = arith.index_cast %mul3A_35 : i32 to index
      %swap3A_36 = tpu.vector_load %arg5[%swap3A] {strides = array<i32>} : memref<128xf32, #tpu.memory_space<vmem>>, vector<16xf32>,
      %swap3A_37 = vector.shape_cast %swap3A_36 : vector<16xf32> to vector<16xf32>
      %swap3A_38 = vector.shape_cast %broadcast_in_dim3A_33 : vector<16xf32> to vector<16xf32>
      tpu.vector_store %arg5[%swap3A], %swap3A_38 {strides = array<i32>} : memref<128xf32, #tpu.memory_space<vmem>>, vector<16xf32>,
      %scan3A_39 = arith.constant 0 : i32
      scf.yield %scan3A_39 : i32
    }
    %scan3A_6 = arith.constant 8 : i32
    %scan3A_7 = arith.constant 0 : i32
    %scan3A_8 = arith.constant 0 : i32
    %scan3A_9 = arith.constant 40 : i32
    %scan3A_10 = arith.addi %scan3A_8, %scan3A_9 : i32
    %scan3A_11 = arith.constant 1 : i32
    %scan3A_12 = scf.for %scan3A_31 = %scan3A_8 to %scan3A_10 step %scan3A_11 iter_args(%scan3A_32 = %scan3A_7) -> (i32)  : i32 {
      %broadcast_in_dim3A = arith.constant 0.000000e+00 : f32
      %broadcast_in_dim3A_33 = vector.broadcast %broadcast_in_dim3A : f32 to vector<16xf32>
      %mul3A_34 = arith.constant 16 : i32
      %mul3A_35 = arith.muli %scan3A_31, %mul3A_34 : i32
      %swap3A = arith.index_cast %mul3A_35 : i32 to index
      %swap3A_36 = tpu.vector_load %arg6[%swap3A] {strides = array<i32>} : memref<640xf32, #tpu.memory_space<vmem>>, vector<16xf32>,
      %swap3A_37 = vector.shape_cast %swap3A_36 : vector<16xf32> to vector<16xf32>
      %swap3A_38 = vector.shape_cast %broadcast_in_dim3A_33 : vector<16xf32> to vector<16xf32>
      tpu.vector_store %arg6[%swap3A], %swap3A_38 {strides = array<i32>} : memref<640xf32, #tpu.memory_space<vmem>>, vector<16xf32>,
      %scan3A_39 = arith.constant 0 : i32
      scf.yield %scan3A_39 : i32
    }
    %scan3A_13 = arith.constant 40 : i32
    %mul3A_14 = arith.constant 640 : i32
    %mul3A_15 = arith.muli %arg1, %mul3A_14 : i32
    "tpu.region"() ({
      %run_scoped3A = tpu.sem_alloc : memref<!tpu.dma_semaphore, #tpu.memory_space<semaphore_mem>>
      %dma_start3A = tpu.memref_slice %arg7[%mul3A_15] : memref<10240xf32, #tpu.memory_space<vmem_shared>> -> memref<640xf32, #tpu.memory_space<vmem_shared>>
      %dma_start3A_31 = tpu.memref_slice %arg7[%mul3A_15] : memref<10240xf32, #tpu.memory_space<vmem_shared>> -> memref<640xf32, #tpu.memory_space<vmem_shared>>
      tpu.enqueue_dma source(%arg6 : memref<640xf32, #tpu.memory_space<vmem>>) target(%dma_start3A_31 : memref<640xf32, #tpu.memory_space<vmem_shared>>) target_semaphore(%run_scoped3A : memref<!tpu.dma_semaphore, #tpu.memory_space<semaphore_mem>>)
      %dma_wait3A = tpu.memref_slice %arg7[%mul3A_15] : memref<10240xf32, #tpu.memory_space<vmem_shared>> -> memref<640xf32, #tpu.memory_space<vmem_shared>>
      %dma_wait3A_32 = tpu.memref_slice %arg7[%mul3A_15] : memref<10240xf32, #tpu.memory_space<vmem_shared>> -> memref<640xf32, #tpu.memory_space<vmem_shared>>
      tpu.wait_dma2 semaphore(%run_scoped3A : memref<!tpu.dma_semaphore, #tpu.memory_space<semaphore_mem>>) src(%arg6 : memref<640xf32, #tpu.memory_space<vmem>>) dst(%dma_wait3A_32 : memref<640xf32, #tpu.memory_space<vmem_shared>>)
      tpu.yield
    }) : () -> ()
    "tpu.region"() ({
      %run_scoped3A = tpu.sem_alloc : memref<!tpu.dma_semaphore, #tpu.memory_space<semaphore_mem>>
      %dma_start3A = arith.constant 0 : i32
      %dma_start3A_31 = arith.constant 0 : i32
      %dma_start3A_32 = tpu.memref_slice %arg2[%add3A, %dma_start3A, %dma_start3A_31] : memref<32x40x128xi32, #tpu.memory_space<hbm>> -> memref<1x40x128xi32, #tpu.memory_space<hbm>>
      %dma_start3A_33 = tpu.memref_squeeze %dma_start3A_32 : memref<1x40x128xi32, #tpu.memory_space<hbm>> -> memref<40x128xi32, #tpu.memory_space<hbm>>
      %dma_start3A_34 = arith.constant 0 : i32
      %dma_start3A_35 = arith.constant 0 : i32
      %dma_start3A_36 = tpu.memref_slice %arg2[%add3A, %dma_start3A_34, %dma_start3A_35] : memref<32x40x128xi32, #tpu.memory_space<hbm>> -> memref<1x40x128xi32, #tpu.memory_space<hbm>>
      %dma_start3A_37 = tpu.memref_squeeze %dma_start3A_36 : memref<1x40x128xi32, #tpu.memory_space<hbm>> -> memref<40x128xi32, #tpu.memory_space<hbm>>
      tpu.enqueue_dma source(%dma_start3A_37 : memref<40x128xi32, #tpu.memory_space<hbm>>) target(%arg4 : memref<40x128xi32, #tpu.memory_space<vmem>>) target_semaphore(%run_scoped3A : memref<!tpu.dma_semaphore, #tpu.memory_space<semaphore_mem>>)
      %dma_wait3A = arith.constant 0 : i32
      %dma_wait3A_38 = arith.constant 0 : i32
      %dma_wait3A_39 = tpu.memref_slice %arg2[%add3A, %dma_wait3A, %dma_wait3A_38] : memref<32x40x128xi32, #tpu.memory_space<hbm>> -> memref<1x40x128xi32, #tpu.memory_space<hbm>>
      %dma_wait3A_40 = tpu.memref_squeeze %dma_wait3A_39 : memref<1x40x128xi32, #tpu.memory_space<hbm>> -> memref<40x128xi32, #tpu.memory_space<hbm>>
      %dma_wait3A_41 = arith.constant 0 : i32
      %dma_wait3A_42 = arith.constant 0 : i32
      %dma_wait3A_43 = tpu.memref_slice %arg2[%add3A, %dma_wait3A_41, %dma_wait3A_42] : memref<32x40x128xi32, #tpu.memory_space<hbm>> -> memref<1x40x128xi32, #tpu.memory_space<hbm>>
      %dma_wait3A_44 = tpu.memref_squeeze %dma_wait3A_43 : memref<1x40x128xi32, #tpu.memory_space<hbm>> -> memref<40x128xi32, #tpu.memory_space<hbm>>
      tpu.wait_dma2 semaphore(%run_scoped3A : memref<!tpu.dma_semaphore, #tpu.memory_space<semaphore_mem>>) src(%dma_wait3A_44 : memref<40x128xi32, #tpu.memory_space<hbm>>) dst(%arg4 : memref<40x128xi32, #tpu.memory_space<vmem>>)
      tpu.yield
    }) : () -> ()
    %barrier3A = arith.constant 0 : index
    tpu.barrier barrier_id(%barrier3A)
    %scan3A_16 = arith.constant 0 : i32
    %scan3A_17 = arith.constant 0 : i32
    %scan3A_18 = arith.constant 40 : i32
    %scan3A_19 = arith.addi %scan3A_17, %scan3A_18 : i32
    %scan3A_20 = arith.constant 1 : i32
    %scan3A_21 = scf.for %scan3A_31 = %scan3A_17 to %scan3A_19 step %scan3A_20 iter_args(%scan3A_32 = %scan3A_16) -> (i32)  : i32 {
      "tpu.region"() ({
        %run_scoped3A = tpu.sem_alloc : memref<!tpu.dma_semaphore, #tpu.memory_space<semaphore_mem>>
        %dma_start3A = arith.constant 0 : i32
        %dma_start3A_34 = tpu.memref_slice %arg4[%scan3A_31, %dma_start3A] : memref<40x128xi32, #tpu.memory_space<vmem>> -> memref<1x128xi32, #tpu.memory_space<vmem>>
        %dma_start3A_35 = tpu.memref_squeeze %dma_start3A_34 : memref<1x128xi32, #tpu.memory_space<vmem>> -> memref<128xi32, #tpu.memory_space<vmem>>
        %dma_start3A_36 = arith.constant 0 : i32
        %dma_start3A_37 = tpu.memref_slice %arg7[%dma_start3A_36] : memref<10240xf32, #tpu.memory_space<vmem_shared>> -> memref<10240xf32, #tpu.memory_space<vmem_shared>>
        tpu.enqueue_indirect_dma source(%arg5 : memref<128xf32, #tpu.memory_space<vmem>>) target(%dma_start3A_37 : memref<10240xf32, #tpu.memory_space<vmem_shared>>) offsets(%dma_start3A_35 : memref<128xi32, #tpu.memory_space<vmem>>) semaphore(%run_scoped3A : memref<!tpu.dma_semaphore, #tpu.memory_space<semaphore_mem>>) {add = true}
        %dma_wait3A = arith.constant 0 : i32
        %dma_wait3A_38 = tpu.memref_slice %arg4[%scan3A_31, %dma_wait3A] : memref<40x128xi32, #tpu.memory_space<vmem>> -> memref<1x128xi32, #tpu.memory_space<vmem>>
        %dma_wait3A_39 = tpu.memref_squeeze %dma_wait3A_38 : memref<1x128xi32, #tpu.memory_space<vmem>> -> memref<128xi32, #tpu.memory_space<vmem>>
        %dma_wait3A_40 = arith.constant 0 : i32
        %dma_wait3A_41 = tpu.memref_slice %arg7[%dma_wait3A_40] : memref<10240xf32, #tpu.memory_space<vmem_shared>> -> memref<10240xf32, #tpu.memory_space<vmem_shared>>
        tpu.wait_indirect_dma semaphore(%run_scoped3A : memref<!tpu.dma_semaphore, #tpu.memory_space<semaphore_mem>>) src(%arg5 : memref<128xf32, #tpu.memory_space<vmem>>) dst(%dma_wait3A_41 : memref<10240xf32, #tpu.memory_space<vmem_shared>>)
        tpu.yield
      }) : () -> ()
      %scan3A_33 = arith.constant 0 : i32
      scf.yield %scan3A_33 : i32
    }
    %scan3A_22 = arith.constant 40 : i32
    %barrier3A_23 = arith.constant 0 : index
    tpu.barrier barrier_id(%barrier3A_23)
    %mul3A_24 = arith.constant 640 : i32
    %mul3A_25 = arith.muli %arg1, %mul3A_24 : i32
    %mul3A_26 = arith.constant 10240 : i32
    %mul3A_27 = arith.muli %arg0, %mul3A_26 : i32
    %mul3A_28 = arith.constant 640 : i32
    %mul3A_29 = arith.muli %arg1, %mul3A_28 : i32
    %add3A_30 = arith.addi %mul3A_27, %mul3A_29 : i32
    "tpu.region"() ({
      %run_scoped3A = tpu.sem_alloc : memref<!tpu.dma_semaphore, #tpu.memory_space<semaphore_mem>>
      %dma_start3A = tpu.memref_slice %arg3[%add3A_30] : memref<20480xf32, #tpu.memory_space<hbm>> -> memref<640xf32, #tpu.memory_space<hbm>>
      %dma_start3A_31 = tpu.memref_slice %arg7[%mul3A_25] : memref<10240xf32, #tpu.memory_space<vmem_shared>> -> memref<640xf32, #tpu.memory_space<vmem_shared>>
      tpu.enqueue_dma source(%dma_start3A_31 : memref<640xf32, #tpu.memory_space<vmem_shared>>) target(%dma_start3A : memref<640xf32, #tpu.memory_space<hbm>>) target_semaphore(%run_scoped3A : memref<!tpu.dma_semaphore, #tpu.memory_space<semaphore_mem>>)
      %dma_wait3A = tpu.memref_slice %arg3[%add3A_30] : memref<20480xf32, #tpu.memory_space<hbm>> -> memref<640xf32, #tpu.memory_space<hbm>>
      %dma_wait3A_32 = tpu.memref_slice %arg7[%mul3A_25] : memref<10240xf32, #tpu.memory_space<vmem_shared>> -> memref<640xf32, #tpu.memory_space<vmem_shared>>
      tpu.wait_dma2 semaphore(%run_scoped3A : memref<!tpu.dma_semaphore, #tpu.memory_space<semaphore_mem>>) src(%dma_wait3A_32 : memref<640xf32, #tpu.memory_space<vmem_shared>>) dst(%dma_wait3A : memref<640xf32, #tpu.memory_space<hbm>>)
      tpu.yield
    }) : () -> ()
    return
  }
}

module attributes {stable_mosaic.version = 14 : i64} {
  func.func @_mm1_body(%arg0: i32, %arg1: i32, %arg2: memref<2000x1433xf32, #tpu.memory_space<vmem>>, %arg3: memref<1433x128xf32, #tpu.memory_space<vmem>>, %arg4: memref<2000x2xf32, #tpu.memory_space<vmem>>, %arg5: memref<1x2000x128xf32, #tpu.memory_space<vmem>>) attributes {dimension_semantics = [#tpu.dimension_semantics<arbitrary>, #tpu.dimension_semantics<arbitrary>], iteration_bounds = array<i64: 5, 4>, scalar_prefetch = 0 : i64, scratch_operands = 0 : i64, tpu.core_type = #tpu.core_type<tc>, window_params = [{transform_indices = @transform_0, window_bounds = array<i64: 2000, 1433>}, {transform_indices = @transform_1, window_bounds = array<i64: 1433, 128>}, {transform_indices = @transform_2, window_bounds = array<i64: 2000, 2>}, {transform_indices = @transform_3, window_bounds = array<i64: 1, 2000, 128>}]} {
    %get3A = arith.constant 0 : index
    %get3A_0 = arith.constant 0 : index
    %get3A_1 = vector.load %arg4[%get3A, %get3A_0] : memref<2000x2xf32, #tpu.memory_space<vmem>>, vector<2000x1xf32>
    %get3A_2 = vector.shape_cast %get3A_1 : vector<2000x1xf32> to vector<2000xf32>
    %get3A_3 = arith.constant 0 : index
    %get3A_4 = arith.constant 1 : index
    %get3A_5 = vector.load %arg4[%get3A_3, %get3A_4] : memref<2000x2xf32, #tpu.memory_space<vmem>>, vector<2000x1xf32>
    %get3A_6 = vector.shape_cast %get3A_5 : vector<2000x1xf32> to vector<2000xf32>
    %add3A = arith.addf %get3A_2, %get3A_6 : vector<2000xf32>
    %add3A_7 = arith.constant 1.000000e+00 : f32
    %add3A_8 = vector.broadcast %add3A_7 : f32 to vector<2000xf32>
    %add3A_9 = arith.addf %add3A, %add3A_8 : vector<2000xf32>
    %rsqrt3A = math.rsqrt %add3A_9 : vector<2000xf32>
    %get3A_10 = arith.constant 0 : index
    %get3A_11 = arith.constant 0 : index
    %get3A_12 = vector.load %arg2[%get3A_10, %get3A_11] : memref<2000x1433xf32, #tpu.memory_space<vmem>>, vector<2000x1433xf32>
    %get3A_13 = arith.constant 0 : index
    %get3A_14 = arith.constant 0 : index
    %get3A_15 = vector.load %arg3[%get3A_13, %get3A_14] : memref<1433x128xf32, #tpu.memory_space<vmem>>, vector<1433x128xf32>
    %dot_general3A = arith.constant dense<0.000000e+00> : vector<2000x128xf32>
    %dot_general3A_16 = tpu.matmul %get3A_12, %get3A_15, %dot_general3A {dimension_numbers = #tpu.dot_dimension_numbers<[1], [0], [0], [1], [0, 0, 1, 1], [], []>, transpose_lhs_hint = false} : vector<2000x1433xf32>, vector<1433x128xf32>, vector<2000x128xf32> -> vector<2000x128xf32>
    %broadcast_in_dim3A = vector.shape_cast %rsqrt3A : vector<2000xf32> to vector<2000x1xf32>
    %mul3A = vector.broadcast %broadcast_in_dim3A : vector<2000x1xf32> to vector<2000x128xf32>
    %mul3A_17 = arith.mulf %dot_general3A_16, %mul3A : vector<2000x128xf32>
    %swap3A = arith.constant 0 : index
    %swap3A_18 = arith.constant 0 : index
    %swap3A_19 = arith.constant 0 : index
    %swap3A_20 = vector.load %arg5[%swap3A, %swap3A_18, %swap3A_19] : memref<1x2000x128xf32, #tpu.memory_space<vmem>>, vector<1x2000x128xf32>
    %swap3A_21 = vector.shape_cast %swap3A_20 : vector<1x2000x128xf32> to vector<2000x128xf32>
    %swap3A_22 = vector.shape_cast %mul3A_17 : vector<2000x128xf32> to vector<1x2000x128xf32>
    tpu.vector_store %arg5[%swap3A, %swap3A_18, %swap3A_19], %swap3A_22 {strides = array<i32>} : memref<1x2000x128xf32, #tpu.memory_space<vmem>>, vector<1x2000x128xf32>,
    return
  }
  func.func @transform_0(%arg0: i32, %arg1: i32) -> (i32, i32) {
    %c0_i32 = arith.constant 0 : i32
    %c0_i32_0 = arith.constant 0 : i32
    return %arg0, %c0_i32 : i32, i32
  }
  func.func @transform_1(%arg0: i32, %arg1: i32) -> (i32, i32) {
    %c0_i32 = arith.constant 0 : i32
    %c0_i32_0 = arith.constant 0 : i32
    return %c0_i32, %arg1 : i32, i32
  }
  func.func @transform_2(%arg0: i32, %arg1: i32) -> (i32, i32) {
    %c0_i32 = arith.constant 0 : i32
    %c0_i32_0 = arith.constant 0 : i32
    return %arg0, %c0_i32 : i32, i32
  }
  func.func @transform_3(%arg0: i32, %arg1: i32) -> (i32, i32, i32) {
    %c0_i32 = arith.constant 0 : i32
    %c0_i32_0 = arith.constant 0 : i32
    return %arg1, %arg0, %c0_i32 : i32, i32, i32
  }
}

module attributes {stable_mosaic.version = 14 : i64} {
  func.func @_mm2_body(%arg0: i32, %arg1: memref<4x400x128xf32, #tpu.memory_space<vmem>>, %arg2: memref<4x400x128xf32, #tpu.memory_space<vmem>>, %arg3: memref<400x2xf32, #tpu.memory_space<vmem>>, %arg4: memref<4x128xf32, #tpu.memory_space<vmem>>, %arg5: memref<4x128x128xf32, #tpu.memory_space<vmem>>, %arg6: memref<400x128xf32, #tpu.memory_space<vmem>>) attributes {dimension_semantics = [#tpu.dimension_semantics<arbitrary>], iteration_bounds = array<i64: 25>, scalar_prefetch = 0 : i64, scratch_operands = 0 : i64, tpu.core_type = #tpu.core_type<tc>, window_params = [{transform_indices = @transform_0, window_bounds = array<i64: 4, 400, 128>}, {transform_indices = @transform_1, window_bounds = array<i64: 4, 400, 128>}, {transform_indices = @transform_2, window_bounds = array<i64: 400, 2>}, {pipeline_mode = #tpu.pipeline_mode<synchronous>, transform_indices = @transform_3, window_bounds = array<i64: 4, 128>}, {pipeline_mode = #tpu.pipeline_mode<synchronous>, transform_indices = @transform_4, window_bounds = array<i64: 4, 128, 128>}, {transform_indices = @transform_5, window_bounds = array<i64: 400, 128>}]} {
    %get3A = arith.constant 0 : index
    %get3A_0 = arith.constant 0 : index
    %get3A_1 = vector.load %arg3[%get3A, %get3A_0] : memref<400x2xf32, #tpu.memory_space<vmem>>, vector<400x1xf32>
    %get3A_2 = vector.shape_cast %get3A_1 : vector<400x1xf32> to vector<400xf32>
    %get3A_3 = arith.constant 0 : index
    %get3A_4 = arith.constant 1 : index
    %get3A_5 = vector.load %arg3[%get3A_3, %get3A_4] : memref<400x2xf32, #tpu.memory_space<vmem>>, vector<400x1xf32>
    %get3A_6 = vector.shape_cast %get3A_5 : vector<400x1xf32> to vector<400xf32>
    %add3A = arith.addf %get3A_2, %get3A_6 : vector<400xf32>
    %add3A_7 = arith.constant 1.000000e+00 : f32
    %add3A_8 = vector.broadcast %add3A_7 : f32 to vector<400xf32>
    %add3A_9 = arith.addf %add3A, %add3A_8 : vector<400xf32>
    %rsqrt3A = math.rsqrt %add3A_9 : vector<400xf32>
    %broadcast_in_dim3A = arith.constant 0.000000e+00 : f32
    %broadcast_in_dim3A_10 = vector.broadcast %broadcast_in_dim3A : f32 to vector<400x128xf32>
    %broadcast_in_dim3A_11 = vector.shape_cast %rsqrt3A : vector<400xf32> to vector<400x1xf32>
    %get3A_12 = arith.constant 0 : index
    %get3A_13 = arith.constant 0 : index
    %get3A_14 = arith.constant 0 : index
    %get3A_15 = vector.load %arg1[%get3A_12, %get3A_13, %get3A_14] : memref<4x400x128xf32, #tpu.memory_space<vmem>>, vector<1x400x128xf32>
    %get3A_16 = vector.shape_cast %get3A_15 : vector<1x400x128xf32> to vector<400x128xf32>
    %get3A_17 = arith.constant 0 : index
    %get3A_18 = arith.constant 0 : index
    %get3A_19 = arith.constant 0 : index
    %get3A_20 = vector.load %arg2[%get3A_17, %get3A_18, %get3A_19] : memref<4x400x128xf32, #tpu.memory_space<vmem>>, vector<1x400x128xf32>
    %get3A_21 = vector.shape_cast %get3A_20 : vector<1x400x128xf32> to vector<400x128xf32>
    %add3A_22 = arith.addf %get3A_16, %get3A_21 : vector<400x128xf32>
    %mul3A = vector.broadcast %broadcast_in_dim3A_11 : vector<400x1xf32> to vector<400x128xf32>
    %mul3A_23 = arith.mulf %mul3A, %add3A_22 : vector<400x128xf32>
    %get3A_24 = arith.constant 0 : index
    %get3A_25 = arith.constant 0 : index
    %get3A_26 = vector.load %arg4[%get3A_24, %get3A_25] : memref<4x128xf32, #tpu.memory_space<vmem>>, vector<1x128xf32>
    %get3A_27 = vector.shape_cast %get3A_26 : vector<1x128xf32> to vector<128xf32>
    %broadcast_in_dim3A_28 = vector.shape_cast %get3A_27 : vector<128xf32> to vector<1x128xf32>
    %add3A_29 = vector.broadcast %broadcast_in_dim3A_28 : vector<1x128xf32> to vector<400x128xf32>
    %add3A_30 = arith.addf %mul3A_23, %add3A_29 : vector<400x128xf32>
    %max3A = arith.constant 0.000000e+00 : f32
    %max3A_31 = vector.broadcast %max3A : f32 to vector<400x128xf32>
    %max3A_32 = arith.maximumf %add3A_30, %max3A_31 : vector<400x128xf32>
    %get3A_33 = arith.constant 0 : index
    %get3A_34 = arith.constant 0 : index
    %get3A_35 = arith.constant 0 : index
    %get3A_36 = vector.load %arg5[%get3A_33, %get3A_34, %get3A_35] : memref<4x128x128xf32, #tpu.memory_space<vmem>>, vector<1x128x128xf32>
    %get3A_37 = vector.shape_cast %get3A_36 : vector<1x128x128xf32> to vector<128x128xf32>
    %dot_general3A = arith.constant dense<0.000000e+00> : vector<400x128xf32>
    %dot_general3A_38 = tpu.matmul %max3A_32, %get3A_37, %dot_general3A {dimension_numbers = #tpu.dot_dimension_numbers<[1], [0], [0], [1], [0, 0, 1, 1], [], []>, transpose_lhs_hint = false} : vector<400x128xf32>, vector<128x128xf32>, vector<400x128xf32> -> vector<400x128xf32>
    %add3A_39 = arith.addf %broadcast_in_dim3A_10, %dot_general3A_38 : vector<400x128xf32>
    %broadcast_in_dim3A_40 = vector.shape_cast %rsqrt3A : vector<400xf32> to vector<400x1xf32>
    %get3A_41 = arith.constant 1 : index
    %get3A_42 = arith.constant 0 : index
    %get3A_43 = arith.constant 0 : index
    %get3A_44 = vector.load %arg1[%get3A_41, %get3A_42, %get3A_43] : memref<4x400x128xf32, #tpu.memory_space<vmem>>, vector<1x400x128xf32>
    %get3A_45 = vector.shape_cast %get3A_44 : vector<1x400x128xf32> to vector<400x128xf32>
    %get3A_46 = arith.constant 1 : index
    %get3A_47 = arith.constant 0 : index
    %get3A_48 = arith.constant 0 : index
    %get3A_49 = vector.load %arg2[%get3A_46, %get3A_47, %get3A_48] : memref<4x400x128xf32, #tpu.memory_space<vmem>>, vector<1x400x128xf32>
    %get3A_50 = vector.shape_cast %get3A_49 : vector<1x400x128xf32> to vector<400x128xf32>
    %add3A_51 = arith.addf %get3A_45, %get3A_50 : vector<400x128xf32>
    %mul3A_52 = vector.broadcast %broadcast_in_dim3A_40 : vector<400x1xf32> to vector<400x128xf32>
    %mul3A_53 = arith.mulf %mul3A_52, %add3A_51 : vector<400x128xf32>
    %get3A_54 = arith.constant 1 : index
    %get3A_55 = arith.constant 0 : index
    %get3A_56 = vector.load %arg4[%get3A_54, %get3A_55] : memref<4x128xf32, #tpu.memory_space<vmem>>, vector<1x128xf32>
    %get3A_57 = vector.shape_cast %get3A_56 : vector<1x128xf32> to vector<128xf32>
    %broadcast_in_dim3A_58 = vector.shape_cast %get3A_57 : vector<128xf32> to vector<1x128xf32>
    %add3A_59 = vector.broadcast %broadcast_in_dim3A_58 : vector<1x128xf32> to vector<400x128xf32>
    %add3A_60 = arith.addf %mul3A_53, %add3A_59 : vector<400x128xf32>
    %max3A_61 = arith.constant 0.000000e+00 : f32
    %max3A_62 = vector.broadcast %max3A_61 : f32 to vector<400x128xf32>
    %max3A_63 = arith.maximumf %add3A_60, %max3A_62 : vector<400x128xf32>
    %get3A_64 = arith.constant 1 : index
    %get3A_65 = arith.constant 0 : index
    %get3A_66 = arith.constant 0 : index
    %get3A_67 = vector.load %arg5[%get3A_64, %get3A_65, %get3A_66] : memref<4x128x128xf32, #tpu.memory_space<vmem>>, vector<1x128x128xf32>
    %get3A_68 = vector.shape_cast %get3A_67 : vector<1x128x128xf32> to vector<128x128xf32>
    %dot_general3A_69 = arith.constant dense<0.000000e+00> : vector<400x128xf32>
    %dot_general3A_70 = tpu.matmul %max3A_63, %get3A_68, %dot_general3A_69 {dimension_numbers = #tpu.dot_dimension_numbers<[1], [0], [0], [1], [0, 0, 1, 1], [], []>, transpose_lhs_hint = false} : vector<400x128xf32>, vector<128x128xf32>, vector<400x128xf32> -> vector<400x128xf32>
    %add3A_71 = arith.addf %add3A_39, %dot_general3A_70 : vector<400x128xf32>
    %broadcast_in_dim3A_72 = vector.shape_cast %rsqrt3A : vector<400xf32> to vector<400x1xf32>
    %get3A_73 = arith.constant 2 : index
    %get3A_74 = arith.constant 0 : index
    %get3A_75 = arith.constant 0 : index
    %get3A_76 = vector.load %arg1[%get3A_73, %get3A_74, %get3A_75] : memref<4x400x128xf32, #tpu.memory_space<vmem>>, vector<1x400x128xf32>
    %get3A_77 = vector.shape_cast %get3A_76 : vector<1x400x128xf32> to vector<400x128xf32>
    %get3A_78 = arith.constant 2 : index
    %get3A_79 = arith.constant 0 : index
    %get3A_80 = arith.constant 0 : index
    %get3A_81 = vector.load %arg2[%get3A_78, %get3A_79, %get3A_80] : memref<4x400x128xf32, #tpu.memory_space<vmem>>, vector<1x400x128xf32>
    %get3A_82 = vector.shape_cast %get3A_81 : vector<1x400x128xf32> to vector<400x128xf32>
    %add3A_83 = arith.addf %get3A_77, %get3A_82 : vector<400x128xf32>
    %mul3A_84 = vector.broadcast %broadcast_in_dim3A_72 : vector<400x1xf32> to vector<400x128xf32>
    %mul3A_85 = arith.mulf %mul3A_84, %add3A_83 : vector<400x128xf32>
    %get3A_86 = arith.constant 2 : index
    %get3A_87 = arith.constant 0 : index
    %get3A_88 = vector.load %arg4[%get3A_86, %get3A_87] : memref<4x128xf32, #tpu.memory_space<vmem>>, vector<1x128xf32>
    %get3A_89 = vector.shape_cast %get3A_88 : vector<1x128xf32> to vector<128xf32>
    %broadcast_in_dim3A_90 = vector.shape_cast %get3A_89 : vector<128xf32> to vector<1x128xf32>
    %add3A_91 = vector.broadcast %broadcast_in_dim3A_90 : vector<1x128xf32> to vector<400x128xf32>
    %add3A_92 = arith.addf %mul3A_85, %add3A_91 : vector<400x128xf32>
    %max3A_93 = arith.constant 0.000000e+00 : f32
    %max3A_94 = vector.broadcast %max3A_93 : f32 to vector<400x128xf32>
    %max3A_95 = arith.maximumf %add3A_92, %max3A_94 : vector<400x128xf32>
    %get3A_96 = arith.constant 2 : index
    %get3A_97 = arith.constant 0 : index
    %get3A_98 = arith.constant 0 : index
    %get3A_99 = vector.load %arg5[%get3A_96, %get3A_97, %get3A_98] : memref<4x128x128xf32, #tpu.memory_space<vmem>>, vector<1x128x128xf32>
    %get3A_100 = vector.shape_cast %get3A_99 : vector<1x128x128xf32> to vector<128x128xf32>
    %dot_general3A_101 = arith.constant dense<0.000000e+00> : vector<400x128xf32>
    %dot_general3A_102 = tpu.matmul %max3A_95, %get3A_100, %dot_general3A_101 {dimension_numbers = #tpu.dot_dimension_numbers<[1], [0], [0], [1], [0, 0, 1, 1], [], []>, transpose_lhs_hint = false} : vector<400x128xf32>, vector<128x128xf32>, vector<400x128xf32> -> vector<400x128xf32>
    %add3A_103 = arith.addf %add3A_71, %dot_general3A_102 : vector<400x128xf32>
    %broadcast_in_dim3A_104 = vector.shape_cast %rsqrt3A : vector<400xf32> to vector<400x1xf32>
    %get3A_105 = arith.constant 3 : index
    %get3A_106 = arith.constant 0 : index
    %get3A_107 = arith.constant 0 : index
    %get3A_108 = vector.load %arg1[%get3A_105, %get3A_106, %get3A_107] : memref<4x400x128xf32, #tpu.memory_space<vmem>>, vector<1x400x128xf32>
    %get3A_109 = vector.shape_cast %get3A_108 : vector<1x400x128xf32> to vector<400x128xf32>
    %get3A_110 = arith.constant 3 : index
    %get3A_111 = arith.constant 0 : index
    %get3A_112 = arith.constant 0 : index
    %get3A_113 = vector.load %arg2[%get3A_110, %get3A_111, %get3A_112] : memref<4x400x128xf32, #tpu.memory_space<vmem>>, vector<1x400x128xf32>
    %get3A_114 = vector.shape_cast %get3A_113 : vector<1x400x128xf32> to vector<400x128xf32>
    %add3A_115 = arith.addf %get3A_109, %get3A_114 : vector<400x128xf32>
    %mul3A_116 = vector.broadcast %broadcast_in_dim3A_104 : vector<400x1xf32> to vector<400x128xf32>
    %mul3A_117 = arith.mulf %mul3A_116, %add3A_115 : vector<400x128xf32>
    %get3A_118 = arith.constant 3 : index
    %get3A_119 = arith.constant 0 : index
    %get3A_120 = vector.load %arg4[%get3A_118, %get3A_119] : memref<4x128xf32, #tpu.memory_space<vmem>>, vector<1x128xf32>
    %get3A_121 = vector.shape_cast %get3A_120 : vector<1x128xf32> to vector<128xf32>
    %broadcast_in_dim3A_122 = vector.shape_cast %get3A_121 : vector<128xf32> to vector<1x128xf32>
    %add3A_123 = vector.broadcast %broadcast_in_dim3A_122 : vector<1x128xf32> to vector<400x128xf32>
    %add3A_124 = arith.addf %mul3A_117, %add3A_123 : vector<400x128xf32>
    %max3A_125 = arith.constant 0.000000e+00 : f32
    %max3A_126 = vector.broadcast %max3A_125 : f32 to vector<400x128xf32>
    %max3A_127 = arith.maximumf %add3A_124, %max3A_126 : vector<400x128xf32>
    %get3A_128 = arith.constant 3 : index
    %get3A_129 = arith.constant 0 : index
    %get3A_130 = arith.constant 0 : index
    %get3A_131 = vector.load %arg5[%get3A_128, %get3A_129, %get3A_130] : memref<4x128x128xf32, #tpu.memory_space<vmem>>, vector<1x128x128xf32>
    %get3A_132 = vector.shape_cast %get3A_131 : vector<1x128x128xf32> to vector<128x128xf32>
    %dot_general3A_133 = arith.constant dense<0.000000e+00> : vector<400x128xf32>
    %dot_general3A_134 = tpu.matmul %max3A_127, %get3A_132, %dot_general3A_133 {dimension_numbers = #tpu.dot_dimension_numbers<[1], [0], [0], [1], [0, 0, 1, 1], [], []>, transpose_lhs_hint = false} : vector<400x128xf32>, vector<128x128xf32>, vector<400x128xf32> -> vector<400x128xf32>
    %add3A_135 = arith.addf %add3A_103, %dot_general3A_134 : vector<400x128xf32>
    %broadcast_in_dim3A_136 = vector.shape_cast %rsqrt3A : vector<400xf32> to vector<400x1xf32>
    %mul3A_137 = vector.broadcast %broadcast_in_dim3A_136 : vector<400x1xf32> to vector<400x128xf32>
    %mul3A_138 = arith.mulf %add3A_135, %mul3A_137 : vector<400x128xf32>
    %swap3A = arith.constant 0 : index
    %swap3A_139 = arith.constant 0 : index
    %swap3A_140 = vector.load %arg6[%swap3A, %swap3A_139] : memref<400x128xf32, #tpu.memory_space<vmem>>, vector<400x128xf32>
    tpu.vector_store %arg6[%swap3A, %swap3A_139], %mul3A_138 {strides = array<i32>} : memref<400x128xf32, #tpu.memory_space<vmem>>, vector<400x128xf32>,
    return
  }
  func.func @transform_0(%arg0: i32) -> (i32, i32, i32) {
    %c0_i32 = arith.constant 0 : i32
    %c0_i32_0 = arith.constant 0 : i32
    %c0_i32_1 = arith.constant 0 : i32
    return %c0_i32, %arg0, %c0_i32_0 : i32, i32, i32
  }
  func.func @transform_1(%arg0: i32) -> (i32, i32, i32) {
    %c0_i32 = arith.constant 0 : i32
    %c0_i32_0 = arith.constant 0 : i32
    %c0_i32_1 = arith.constant 0 : i32
    return %c0_i32, %arg0, %c0_i32_0 : i32, i32, i32
  }
  func.func @transform_2(%arg0: i32) -> (i32, i32) {
    %c0_i32 = arith.constant 0 : i32
    %c0_i32_0 = arith.constant 0 : i32
    return %arg0, %c0_i32 : i32, i32
  }
  func.func @transform_3(%arg0: i32) -> (i32, i32) {
    %c0_i32 = arith.constant 0 : i32
    %c0_i32_0 = arith.constant 0 : i32
    %c0_i32_1 = arith.constant 0 : i32
    return %c0_i32, %c0_i32_0 : i32, i32
  }
  func.func @transform_4(%arg0: i32) -> (i32, i32, i32) {
    %c0_i32 = arith.constant 0 : i32
    %c0_i32_0 = arith.constant 0 : i32
    %c0_i32_1 = arith.constant 0 : i32
    %c0_i32_2 = arith.constant 0 : i32
    return %c0_i32, %c0_i32_0, %c0_i32_1 : i32, i32, i32
  }
  func.func @transform_5(%arg0: i32) -> (i32, i32) {
    %c0_i32 = arith.constant 0 : i32
    %c0_i32_0 = arith.constant 0 : i32
    return %arg0, %c0_i32 : i32, i32
  }
}

module attributes {stable_mosaic.version = 14 : i64} {
  func.func @_fin_body(%arg0: i32, %arg1: memref<2x400x128xf32, #tpu.memory_space<vmem>>, %arg2: memref<400x128xf32, #tpu.memory_space<vmem>>, %arg3: memref<400x2xf32, #tpu.memory_space<vmem>>, %arg4: memref<1x128xf32, #tpu.memory_space<vmem>>, %arg5: memref<400x128xf32, #tpu.memory_space<vmem>>) attributes {dimension_semantics = [#tpu.dimension_semantics<arbitrary>], iteration_bounds = array<i64: 25>, scalar_prefetch = 0 : i64, scratch_operands = 0 : i64, tpu.core_type = #tpu.core_type<tc>, window_params = [{transform_indices = @transform_0, window_bounds = array<i64: 2, 400, 128>}, {transform_indices = @transform_1, window_bounds = array<i64: 400, 128>}, {transform_indices = @transform_2, window_bounds = array<i64: 400, 2>}, {pipeline_mode = #tpu.pipeline_mode<synchronous>, transform_indices = @transform_3, window_bounds = array<i64: 1, 128>}, {transform_indices = @transform_4, window_bounds = array<i64: 400, 128>}]} {
    %get3A = arith.constant 0 : index
    %get3A_0 = arith.constant 0 : index
    %get3A_1 = vector.load %arg3[%get3A, %get3A_0] : memref<400x2xf32, #tpu.memory_space<vmem>>, vector<400x1xf32>
    %get3A_2 = vector.shape_cast %get3A_1 : vector<400x1xf32> to vector<400xf32>
    %get3A_3 = arith.constant 0 : index
    %get3A_4 = arith.constant 1 : index
    %get3A_5 = vector.load %arg3[%get3A_3, %get3A_4] : memref<400x2xf32, #tpu.memory_space<vmem>>, vector<400x1xf32>
    %get3A_6 = vector.shape_cast %get3A_5 : vector<400x1xf32> to vector<400xf32>
    %add3A = arith.addf %get3A_2, %get3A_6 : vector<400xf32>
    %add3A_7 = arith.constant 1.000000e+00 : f32
    %add3A_8 = vector.broadcast %add3A_7 : f32 to vector<400xf32>
    %add3A_9 = arith.addf %add3A, %add3A_8 : vector<400xf32>
    %rsqrt3A = math.rsqrt %add3A_9 : vector<400xf32>
    %broadcast_in_dim3A = vector.shape_cast %rsqrt3A : vector<400xf32> to vector<400x1xf32>
    %get3A_10 = arith.constant 0 : index
    %get3A_11 = arith.constant 0 : index
    %get3A_12 = arith.constant 0 : index
    %get3A_13 = vector.load %arg1[%get3A_10, %get3A_11, %get3A_12] : memref<2x400x128xf32, #tpu.memory_space<vmem>>, vector<1x400x128xf32>
    %get3A_14 = vector.shape_cast %get3A_13 : vector<1x400x128xf32> to vector<400x128xf32>
    %get3A_15 = arith.constant 1 : index
    %get3A_16 = arith.constant 0 : index
    %get3A_17 = arith.constant 0 : index
    %get3A_18 = vector.load %arg1[%get3A_15, %get3A_16, %get3A_17] : memref<2x400x128xf32, #tpu.memory_space<vmem>>, vector<1x400x128xf32>
    %get3A_19 = vector.shape_cast %get3A_18 : vector<1x400x128xf32> to vector<400x128xf32>
    %add3A_20 = arith.addf %get3A_14, %get3A_19 : vector<400x128xf32>
    %get3A_21 = arith.constant 0 : index
    %get3A_22 = arith.constant 0 : index
    %get3A_23 = vector.load %arg2[%get3A_21, %get3A_22] : memref<400x128xf32, #tpu.memory_space<vmem>>, vector<400x128xf32>
    %add3A_24 = arith.addf %add3A_20, %get3A_23 : vector<400x128xf32>
    %mul3A = vector.broadcast %broadcast_in_dim3A : vector<400x1xf32> to vector<400x128xf32>
    %mul3A_25 = arith.mulf %mul3A, %add3A_24 : vector<400x128xf32>
    %get3A_26 = arith.constant 0 : index
    %get3A_27 = arith.constant 0 : index
    %get3A_28 = vector.load %arg4[%get3A_26, %get3A_27] : memref<1x128xf32, #tpu.memory_space<vmem>>, vector<1x128xf32>
    %get3A_29 = vector.shape_cast %get3A_28 : vector<1x128xf32> to vector<128xf32>
    %broadcast_in_dim3A_30 = vector.shape_cast %get3A_29 : vector<128xf32> to vector<1x128xf32>
    %add3A_31 = vector.broadcast %broadcast_in_dim3A_30 : vector<1x128xf32> to vector<400x128xf32>
    %add3A_32 = arith.addf %mul3A_25, %add3A_31 : vector<400x128xf32>
    %swap3A = arith.constant 0 : index
    %swap3A_33 = arith.constant 0 : index
    %swap3A_34 = vector.load %arg5[%swap3A, %swap3A_33] : memref<400x128xf32, #tpu.memory_space<vmem>>, vector<400x128xf32>
    tpu.vector_store %arg5[%swap3A, %swap3A_33], %add3A_32 {strides = array<i32>} : memref<400x128xf32, #tpu.memory_space<vmem>>, vector<400x128xf32>,
    return
  }
  func.func @transform_0(%arg0: i32) -> (i32, i32, i32) {
    %c0_i32 = arith.constant 0 : i32
    %c0_i32_0 = arith.constant 0 : i32
    %c0_i32_1 = arith.constant 0 : i32
    return %c0_i32, %arg0, %c0_i32_0 : i32, i32, i32
  }
  func.func @transform_1(%arg0: i32) -> (i32, i32) {
    %c0_i32 = arith.constant 0 : i32
    %c0_i32_0 = arith.constant 0 : i32
    return %arg0, %c0_i32 : i32, i32
  }
  func.func @transform_2(%arg0: i32) -> (i32, i32) {
    %c0_i32 = arith.constant 0 : i32
    %c0_i32_0 = arith.constant 0 : i32
    return %arg0, %c0_i32 : i32, i32
  }
  func.func @transform_3(%arg0: i32) -> (i32, i32) {
    %c0_i32 = arith.constant 0 : i32
    %c0_i32_0 = arith.constant 0 : i32
    %c0_i32_1 = arith.constant 0 : i32
    return %c0_i32, %c0_i32_0 : i32, i32
  }
  func.func @transform_4(%arg0: i32) -> (i32, i32) {
    %c0_i32 = arith.constant 0 : i32
    %c0_i32_0 = arith.constant 0 : i32
    return %arg0, %c0_i32 : i32, i32
  }
}

</mosaic_0001>

<sc_bundles>
// kernel: kernel.11.cloned.1.call-start
scs
__scs_entry_jumppad:
0x0: {  	(pc) =	sbr.rel $0x88, $3  }
0x1: {  	(tag) =	ssettag $0x0;
	lr =	simm.s32 $0x1  }
0x2: {  	[smem:$0x3F9B] =	sst lr;
	_ =	strace $0xD0000000  }
0x3: {  	_ = 	snop  }
0x4: {  	_ = 	snop  }
0x5: {  	_ = 	snop  }
0x6: {  	_ = 	snop  }
0x7: {  	_ = 	snop  }
__scs_overlays_trampoline_lowered:
0x8: {  	[smem:$0x3FAA] =	sst s0  }
0x9: {  	[smem:$0x3FAB] =	sst s1  }
0xa: {  	[smem:$0x3FAC] =	sst s2  }
0xb: {  	[smem:$0x3FAD] =	sst s3  }
0xc: {  	[smem:$0x3FAE] =	sst s4  }
0xd: {  	[smem:$0x3FAF] =	sst s5  }
0xe: {  	[smem:$0x3FB0] =	sst s6  }
0xf: {  	[smem:$0x3FB1] =	sst s7  }
0x10: {  	[smem:$0x3FB2] =	sst s8  }
0x11: {  	[smem:$0x3FB3] =	sst s9;
	s0 =	simm.s32 @!p0 $0x0  }
0x12: {  	s1 =	sld [smem:$0x3F99];
	s0 =	simm.s32 @p0 $0x1  }
0x13: {  	[smem:$0x3FB4] =	sst s0;
	s0 =	simm.s32 @!p1 $0x0  }
0x14: {  	s2 =	sld [smem:$0x3F98];
	s0 =	simm.s32 @p1 $0x1  }
0x15: {  	[smem:$0x3FB5] =	sst s0;
	s0 =	simm.s32 @!p2 $0x0  }
0x16: {  	s3 =	sld [smem:$0x3FDB];
	s0 =	simm.s32 @p2 $0x1  }
0x17: {  	s4 =	simm.s32 $0x1BF5;
	[smem:$0x3FB7] =	sst s0  }
0x18: {  	s0 =	sld [smem:$0x3F9A];
	_ =	swait.ge [sflag:s4], $0x0  }
0x19: {  	s7 =	sld [smem:$0x3F9B]  }
0x1a: {  	s8 =	sadd.s32 $0xFFFFE003, lr  }
0x1b: {  	s9 =	sadd.s32 $0xFFFFFEF7, lr;
	s5 =	simm.s32 $0xFFFFFFFF;
	p2 =	slt.u32 s8, $0xFFFFF086  }
0x1c: {  	p1 =	slt.u32 s9, $0xF7A;
	s5 =	simm.s32 @!p2 $0x0  }
0x1d: {  	s5 =	simm.s32 @p1 $0x1;
	p0 =	seq.s32 s7, s2  }
0x1e: {  	s7 =	smul.u32 @!p0 $0xF7A, s2;
	p2 =	seq.s32 @!p0 s5, $0x0  }
0x1f: {  	s9 =	smul.u32 $0xF7A, s1;
	s8 =	simm.s32 @!p0 $0x1BF5;
	p2 =	por !p2, p0  }
0x20: {  	[sflag:s8] =	ssyncset.s32 @!p0 $0xFFFFF086;
	s6 =	sadd.s32 @!p0 s3, s7;
	s7 =	simm.s32 @!p0 $0x108  }
0x21: {  	s3 =	sadd.s32 s3, s9;
	s6 =	sadd.s32 @!p0 $0x88, s6;
	s7 =	simm.s32 @p2 $0x1082  }
0x22: {  	[simem:s7], [sflag:s8] =	dma.local @!p0 [hbm:s6], $0xF7A  }
0x23: {  	s9 =	sor.u32 $0xD0000000, s2;
	s6 =	simm.s32 $0x108;
	_ =	swait.ge @!p0 [sflag:s8], $0x0  }
0x24: {  	s3 =	sadd.s32 $0x88, s3;
	s6 =	simm.s32 @!p1 $0x1082;
	[sflag:s4] =	ssyncset.s32 $0xFFFFF086  }
0x25: {  	[simem:s6], [sflag:s4] =	dma.local [hbm:s3], $0xF7A  }
0x26: {  	[smem:$0x3F9B] =	sst s1;
	(tag) =	ssettag s2;
	_ =	strace s9  }
0x27: {  	s1 =	sld [smem:$0x3FAB]  }
0x28: {  	s2 =	sld [smem:$0x3FAC]  }
0x29: {  	s4 =	sld [smem:$0x3FAE]  }
0x2a: {  	p0 =	seq.s32 s5, $0x0;
	s5 =	sld [smem:$0x3FAF]  }
0x2b: {  	s6 =	sld [smem:$0x3FB0]  }
0x2c: {  	s7 =	sld [smem:$0x3FB1]  }
0x2d: {  	s3 =	simm.s32 $0x108;
	s8 =	sld [smem:$0x3FB2]  }
0x2e: {  	s3 =	simm.s32 @!p0 $0x1082;
	s9 =	sld [smem:$0x3FB3]  }
0x2f: {  	lr =	sadd.s32 s0, s3;
	s0 =	sld [smem:$0x3FAA]  }
0x30: {  	s3 =	sld [smem:$0x3FAD]  }
0x31: {  	[smem:$0x3FB6] =	sst s10  }
0x32: {  	s10 =	sld [smem:$0x3FB4];
	_ =	sdelay $0x3  }
0x33: {  	p0 =	seq.s32 s10, $0x1;
	s10 =	sld [smem:$0x3FB6];
	_ =	sdelay $0x3  }
0x34: {  	[smem:$0x3FB6] =	sst s10  }
0x35: {  	s10 =	sld [smem:$0x3FB5];
	_ =	sdelay $0x3  }
0x36: {  	p1 =	seq.s32 s10, $0x1;
	s10 =	sld [smem:$0x3FB6];
	_ =	sdelay $0x3  }
0x37: {  	[smem:$0x3FB6] =	sst s10  }
0x38: {  	s10 =	sld [smem:$0x3FB7]  }
0x39: {  	_ = 	snop;
	(pc) =	sbr.ind lr, $3  }
0x3a: {  	_ = 	snop  }
0x3b: {  	_ = 	snop  }
0x3c: {  	p2 =	seq.s32 s10, $0x1;
	s10 =	sld [smem:$0x3FB6]  }
0x3d: {  	_ =	shalt  }
0x3e: {  	_ =	shalt  }
0x3f: {  	_ =	shalt  }
0x40: {  	_ =	shalt  }
0x41: {  	_ =	shalt  }
0x42: {  	_ =	shalt  }
0x43: {  	_ =	shalt  }
0x44: {  	_ =	shalt  }
0x45: {  	_ =	shalt  }
0x46: {  	_ =	shalt  }
0x47: {  	_ =	shalt  }
0x48: {  	_ =	shalt  }
0x49: {  	_ =	shalt  }
0x4a: {  	_ =	shalt  }
0x4b: {  	_ =	shalt  }
0x4c: {  	_ =	shalt  }
0x4d: {  	_ =	shalt  }
0x4e: {  	_ =	shalt  }
0x4f: {  	_ =	shalt  }
0x50: {  	_ =	shalt  }
0x51: {  	_ =	shalt  }
0x52: {  	_ =	shalt  }
0x53: {  	_ =	shalt  }
0x54: {  	_ =	shalt  }
0x55: {  	_ =	shalt  }
0x56: {  	_ =	shalt  }
0x57: {  	_ =	shalt  }
0x58: {  	_ =	shalt  }
0x59: {  	_ =	shalt  }
0x5a: {  	_ =	shalt  }
0x5b: {  	_ =	shalt  }
0x5c: {  	_ =	shalt  }
0x5d: {  	_ =	shalt  }
0x5e: {  	_ =	shalt  }
0x5f: {  	_ =	shalt  }
0x60: {  	_ =	shalt  }
0x61: {  	_ =	shalt  }
0x62: {  	_ =	shalt  }
0x63: {  	_ =	shalt  }
0x64: {  	_ =	shalt  }
0x65: {  	_ =	shalt  }
0x66: {  	_ =	shalt  }
0x67: {  	_ =	shalt  }
0x68: {  	_ =	shalt  }
0x69: {  	_ =	shalt  }
0x6a: {  	_ =	shalt  }
0x6b: {  	_ =	shalt  }
0x6c: {  	_ =	shalt  }
0x6d: {  	_ =	shalt  }
0x6e: {  	_ =	shalt  }
0x6f: {  	_ =	shalt  }
0x70: {  	_ =	shalt  }
0x71: {  	_ =	shalt  }
0x72: {  	_ =	shalt  }
0x73: {  	_ =	shalt  }
0x74: {  	_ =	shalt  }
0x75: {  	_ =	shalt  }
0x76: {  	_ =	shalt  }
0x77: {  	_ =	shalt  }
0x78: {  	_ =	shalt  }
0x79: {  	_ =	shalt  }
0x7a: {  	_ =	shalt  }
0x7b: {  	_ =	shalt  }
0x7c: {  	_ =	shalt  }
0x7d: {  	_ =	shalt  }
0x7e: {  	_ =	shalt  }
0x7f: {  	_ =	shalt  }
0x80: {  	_ =	shalt  }
0x81: {  	_ =	shalt  }
0x82: {  	_ =	shalt  }
0x83: {  	_ =	shalt  }
0x84: {  	_ =	shalt  }
0x85: {  	_ =	shalt  }
0x86: {  	_ =	shalt  }
0x87: {  	_ =	shalt  }
.Lfunc_end0:
.L_simem_size_0:
called_computation.1_lowered:
.L_overlay_start_0:
0x88: {  	s2 =	sld [smem:$0x3FD9]  }
0x89: {  	s3 =	sld [smem:$0x3FFE];
	_ =	sdelay $0x1  }
0x8a: {  	s1 =	srdreg.scid  }
0x8b: {  	s0 =	sand.u32 $0x1, s1  }
0x8c: {  	s16 =	sshll.u32 s0, $0xA;
	s2 =	sadd.s32 s3, s2  }
0x8d: {  	s2 =	sadd.s32 s2, s16  }
0x8e: {  	[smem:$0x3FC2] =	sst s2  }
0x8f: {  	_ = 	snop  }
0x90: {  	(tm) =	ssettm $0x1  }
0x91: {  	s17 =	sld [smem:$0x3FFB];
	_ =	sdelay $0x3  }
0x92: {  	_ =	strace s17  }
0x93: {  	s2 =	sld [smem:$0x3FFC];
	_ =	sdelay $0x3  }
0x94: {  	_ =	strace s2  }
0x95: {  	s2 =	sld [smem:$0x3FFD];
	_ =	sdelay $0x3  }
0x96: {  	_ =	strace s2  }
0x97: {  	_ =	strace $0x8FFFFFFF  }
0x98: {  	s18 =	sld [smem:$0x3FDB];
	_ =	sdelay $0x1  }
0x99: {  	s19 =	simm.s32 $_scs_section_size  }
0x9a: {  	s4 =	simm.s32 $_size__tile_overlayer_lowered;
	s5 =	simm.s32 $_tile_overlayer_lowered  }
0x9b: {  	s22 =	simm.s32 $0x1BFF;
	s21 =	sshll.u32 s5, $0x1;
	s2 =	sadd.s32 s19, s18  }
0x9c: {  	s6 =	simm.s32 $0x0;
	s20 =	sshll.u32 s4, $0x1;
	s4 =	sadd.s32 s21, s2  }
0x9d: {  	[timem:s6], [sflag:s22] =	dma.local [hbm:s4], s20  }
0x9e: {  	_ =	swait.ge [sflag:s22], s20  }
0x9f: {  	s3 =	ssub.s32 $0x0, s20;
	[sflag:s22] =	ssyncset.done $0x0  }
0xa0: {  	[sflag:s22] =	ssyncadd.s32 s3;
	_ =	sdelay $0x1  }
0xa1: {  	s23 =	simm.s32 $0x1B8B  }
0xa2: {  	_ =	swait.ge [sflag:s23], $0x1  }
0xa3: {  	[sflag:s23] =	ssyncset.done $0x0  }
0xa4: {  	s25 =	simm.s32 $0x1B8E;
	s24 =	sld [smem:$0x3FFE];
	[sflag:s23] =	ssyncadd.s32 $0xFFFFFFFF  }
0xa5: {  	s26 =	simm.s32 $execute0_lowered;
	[smem:$0x3FD2] =	sst s25  }
0xa6: {  	s4 =	sshll.u32 s26, $0x1;
	_ =	strace $0x80000049;
	[dreg:$0x1] =	wrdreg $0xFFFFFFFF  }
0xa7: {  	s28 =	simm.s32 $_size_execute0_lowered;
	s2 =	sadd.s32 s2, s4;
	[dreg:$0x0] =	wrdreg $0x0  }
0xa8: {  	s4 =	sshll.u32 s28, $0x1;
	[dreg:$0x2] =	wrdreg s2  }
0xa9: {  	[dreg:$0x3] =	wrdreg s4  }
0xaa: {  	[dreg:$0x4] =	wrdreg $0xC0  }
0xab: {  	_ =	task [dreg:s6], $0x5FFFF  }
0xac: {  	[dreg:$0x1] =	wrdreg $0xFFFFFFFF  }
0xad: {  	[dreg:$0x0] =	wrdreg $0x60  }
0xae: {  	[dreg:$0x2] =	wrdreg s24  }
0xaf: {  	[dreg:$0x3] =	wrdreg $0xB0800  }
0xb0: {  	[dreg:$0x4] =	wrdreg $0x9  }
0xb1: {  	_ =	task.clear_ibuf [dreg:s6], $0x5FFFF;
	_ =	strace $0x90000049  }
0xb2: {  	s29 =	simm.s32 $0x9;
	_ =	strace $0x8000004B  }
0xb3: {  	_ =	swait.ge [sflag:s29], $0x1  }
0xb4: {  	[sflag:s29] =	ssyncadd.s32 $0xFFFFFFFF  }
0xb5: {  	_ =	strace $0x9000004B  }
0xb6: {  	_ =	sfence  }
0xb7: {  	s30 =	sld [smem:$0x0];
	_ =	sdelay $0x2  }
0xb8: {  	s31 =	sshll.u32 s1, $0xD;
	s1 =	sshrl.u32 s1, $0x2  }
0xb9: {  	s3 =	sand.u32 $0x4000, s31;
	s1 =	sadd.s32 s1, s30  }
0xba: {  	s0 =	sor.u32 s3, s0;
	s1 =	sshll.u32 s1, $0x11  }
0xbb: {  	s0 =	sor.u32 s1, s0  }
0xbc: {  	s0 =	sadd.s32 $0x8F2B, s0  }
0xbd: {  	[sflag:s0] =	ssyncadd.remote.s32 $0x1  }
0xbe: {  	_ =	sfence.sel $0xFFFF  }
0xbf: {  	[dreg:$0x0] =	wrdreg $0xFFFFFFFF;
	(pc) =	sbr.abs _section_cstart, $3  }
0xc0: {  	[dreg:$0x1] =	wrdreg $0xFFFFFFFF  }
0xc1: {  	_ =	task.clear_ibuf [dreg:s6], $0x2FFFF;
	_ =	strace $0x9FFFFFFF  }
0xc2: {  	(tm) =	ssettm $0x7FFFFFFF  }
0xc3: {  	_ =	shalt  }
tec
execute0_lowered:
.L_overlay_start_1:
0x0: {  	(tag) =	ssettag $0x1  }
0x1: {  	s0 =	rddreg [dreg:$0x0]  }
0x2: {  	s2 =	rddreg [dreg:$0x1];
	s3 =	simm.s32 $0x0;
	s9 =	stileid.u32  }
0x3: {  	s1 =	srdreg.scid;
	s20 =	simm.s32 $0x2;
	s22 =	simm.s32 $0x9080  }
0x4: {  	s23 =	simm.s32 $0x80;
	s24 =	simm.s32 $0x5000;
	s25 =	simm.s32 $0x5080  }
0x5: {  	s26 =	simm.s32 $0x1;
	s28 =	simm.s32 $0x0;
	s5 =	smul.u32 $0x500, s9  }
0x6: {  	[smem:$0x7FF] =	sst s3;
	s4 =	sadd.s32 $0x1DFC00, s0;
	s8 =	smul.u32 $0x280, s9  }
0x7: {  	s1 =	sand.u32 $0x1, s1;
	s9 =	smul.u32 $0x50000, s9;
	_ =	strace $0x8000004A  }
0x8: {  	s6 =	ssub.s32 $0x2, s1;
	s1 =	smul.u32 $0x5000, s1;
	s7 =	sadd.s32 s5, s0  }
0x9: {  	s30 =	sshrl.u32 s6, $0x1;
	s0 =	sadd.s32 $0x6000, s0;
	s9 =	sshrl.u32 s9, $0x2  }
0xa: {  	s10 =	ssub.s32 s6, s30;
	s5 =	sadd.s32 $0x1DAC00, s7;
	s21 =	sadd.s32 $0x2800, s1  }
0xb: {  	s6 =	sadd.s32 $0x1000, s7;
	s31 =	sadd.s32 s8, s1;
	s7 =	sadd.s32 s9, s2  }
0xc: {  	s8 =	sadd.s32 s8, s21;
	s11 =	sshll.u32 s31, $0x4;
	s10 =	smax.u32 s10, $0x1  }
0xd: {  	s13 =	sadd.s32 $0x6000, s7;
	s14 =	sadd.s32 $0x8000, s7;
	s15 =	sadd.s32 $0xA000, s7  }
0xe: {  	s16 =	sadd.s32 $0xC000, s7;
	s17 =	sadd.s32 $0xE000, s7;
	s18 =	sadd.s32 $0x10000, s7  }
0xf: {  	s19 =	sadd.s32 $0x12000, s7;
	s12 =	sshll.u32 s8, $0x4;
	s8 =	sadd.s32 s0, s11  }
0x10: {  	v2 =	vimm.f32 $0.0e+00;
	v0 =	vmov s1;
	v1 =	vmov s21;
	s11 =	sadd.s32 $0x2000, s7;
	s9 =	sadd.s32 s0, s12;
	s12 =	sadd.s32 $0x4000, s7  }
.LBB2_1:
0x11: {  	[tilespmem:s3], [sflag:$0x2] =	stream.linear.gather [hbm4b:s5+s3], $0x2800, $0x38;
	[tilespmem:$0x1F080] =	vst v63  }
0x12: {  	_ =	swait.ge [sflag:s20], $0x2800  }
0x13: {  	[sflag:s20] =	ssyncset.done $0x0  }
0x14: {  	s0 =	simm.s32 $0x2800;
	[sflag:s20] =	ssyncadd.s32 $0xFFFFD800  }
0x15: {  	[tilespmem:s0], [sflag:$0x2] =	stream.linear.gather [hbm4b:s6+s3], $0x2800, $0x38;
	[tilespmem:$0x1F080] =	vst v63  }
0x16: {  	_ =	swait.ge [sflag:s20], $0x2800  }
0x17: {  	[sflag:s20] =	ssyncset.done $0x0  }
0x18: {  	s21 =	simm.s32 $0x200;
	s0 =	simm.s32 $0x0;
	[sflag:s20] =	ssyncadd.s32 $0xFFFFD800  }
.LBB2_2:
0x19: {  	p0 =	sne.s32 s21, $0x7E00;
	[tilespmem:s0+$0x90F0] =	vst v2  }
0x1a: {  	[tilespmem:s0+$0x9080] =	vst v2  }
0x1b: {  	[tilespmem:s0+$0x9090] =	vst v2  }
.Ltmp0:
0x1c: {  	[tilespmem:s0+$0x90A0] =	vst v2;
	(pc) =	sbr.rel @p0 .LBB2_2-.Ltmp0, $4  }
0x1d: {  	[tilespmem:s0+$0x90B0] =	vst v2  }
0x1e: {  	[tilespmem:s0+$0x90C0] =	vst v2  }
0x1f: {  	[tilespmem:s0+$0x90D0] =	vst v2  }
0x20: {  	[tilespmem:s0+$0x90E0] =	vst v2;
	s0 =	sshra.s32 s21, $0x2;
	s21 =	sadd.s32 $0x200, s21  }
0x21: {  	[tilespmem:s0+$0x90F0] =	vst v2  }
0x22: {  	[tilespmem:s0+$0x9080] =	vst v2  }
0x23: {  	[tilespmem:s0+$0x9090] =	vst v2  }
0x24: {  	[tilespmem:s0+$0x90A0] =	vst v2  }
0x25: {  	[tilespmem:s0+$0x90B0] =	vst v2  }
0x26: {  	[tilespmem:s0+$0x90C0] =	vst v2  }
0x27: {  	[tilespmem:s0+$0x90D0] =	vst v2  }
0x28: {  	[tilespmem:s0+$0x90E0] =	vst v2  }
0x29: {  	[spmem:s7] =	stream.linear.scatter [tilespmem:s22], [sflag:$0x2], $0x2000, $0x38;
	[tilespmem:$0x1F080] =	vst v63  }
0x2a: {  	_ =	swait.ge [sflag:s20], $0x2000  }
0x2b: {  	[sflag:s20] =	ssyncset.done $0x0  }
0x2c: {  	[sflag:s20] =	ssyncadd.s32 $0xFFFFE000  }
0x2d: {  	[spmem:s11] =	stream.linear.scatter [tilespmem:s22], [sflag:$0x2], $0x2000, $0x38;
	[tilespmem:$0x1F080] =	vst v63  }
0x2e: {  	_ =	swait.ge [sflag:s20], $0x2000  }
0x2f: {  	[sflag:s20] =	ssyncset.done $0x0  }
0x30: {  	[sflag:s20] =	ssyncadd.s32 $0xFFFFE000  }
0x31: {  	[spmem:s12] =	stream.linear.scatter [tilespmem:s22], [sflag:$0x2], $0x2000, $0x38;
	[tilespmem:$0x1F080] =	vst v63  }
0x32: {  	_ =	swait.ge [sflag:s20], $0x2000  }
0x33: {  	[sflag:s20] =	ssyncset.done $0x0  }
0x34: {  	[sflag:s20] =	ssyncadd.s32 $0xFFFFE000  }
0x35: {  	[spmem:s13] =	stream.linear.scatter [tilespmem:s22], [sflag:$0x2], $0x2000, $0x38;
	[tilespmem:$0x1F080] =	vst v63  }
0x36: {  	_ =	swait.ge [sflag:s20], $0x2000  }
0x37: {  	[sflag:s20] =	ssyncset.done $0x0  }
0x38: {  	[sflag:s20] =	ssyncadd.s32 $0xFFFFE000  }
0x39: {  	[spmem:s14] =	stream.linear.scatter [tilespmem:s22], [sflag:$0x2], $0x2000, $0x38;
	[tilespmem:$0x1F080] =	vst v63  }
0x3a: {  	_ =	swait.ge [sflag:s20], $0x2000  }
0x3b: {  	[sflag:s20] =	ssyncset.done $0x0  }
0x3c: {  	[sflag:s20] =	ssyncadd.s32 $0xFFFFE000  }
0x3d: {  	[spmem:s15] =	stream.linear.scatter [tilespmem:s22], [sflag:$0x2], $0x2000, $0x38;
	[tilespmem:$0x1F080] =	vst v63  }
0x3e: {  	_ =	swait.ge [sflag:s20], $0x2000  }
0x3f: {  	[sflag:s20] =	ssyncset.done $0x0  }
0x40: {  	[sflag:s20] =	ssyncadd.s32 $0xFFFFE000  }
0x41: {  	[spmem:s16] =	stream.linear.scatter [tilespmem:s22], [sflag:$0x2], $0x2000, $0x38;
	[tilespmem:$0x1F080] =	vst v63  }
0x42: {  	_ =	swait.ge [sflag:s20], $0x2000  }
0x43: {  	[sflag:s20] =	ssyncset.done $0x0  }
0x44: {  	[sflag:s20] =	ssyncadd.s32 $0xFFFFE000  }
0x45: {  	[spmem:s17] =	stream.linear.scatter [tilespmem:s22], [sflag:$0x2], $0x2000, $0x38;
	[tilespmem:$0x1F080] =	vst v63  }
0x46: {  	_ =	swait.ge [sflag:s20], $0x2000  }
0x47: {  	[sflag:s20] =	ssyncset.done $0x0  }
0x48: {  	[sflag:s20] =	ssyncadd.s32 $0xFFFFE000  }
0x49: {  	[spmem:s18] =	stream.linear.scatter [tilespmem:s22], [sflag:$0x2], $0x2000, $0x38;
	[tilespmem:$0x1F080] =	vst v63  }
0x4a: {  	_ =	swait.ge [sflag:s20], $0x2000  }
0x4b: {  	[sflag:s20] =	ssyncset.done $0x0  }
0x4c: {  	[sflag:s20] =	ssyncadd.s32 $0xFFFFE000  }
0x4d: {  	[spmem:s19] =	stream.linear.scatter [tilespmem:s22], [sflag:$0x2], $0x2000, $0x38;
	[tilespmem:$0x1F080] =	vst v63  }
0x4e: {  	_ =	swait.ge [sflag:s20], $0x2000  }
0x4f: {  	[sflag:s20] =	ssyncset.done $0x0  }
0x50: {  	[sflag:s20] =	ssyncadd.s32 $0xFFFFE000  }
0x51: {  	s30 =	simm.s32 $0x0;
	[bflag:$0x0] =	sbarrier.arrive $0xFFFF  }
0x52: {  	v3 =	vld [tilespmem:s30+$0x0];
	_ =	sdelay $0x4  }
0x53: {  	v3 =	vadd.s32 v0, v3  }
0x54: {  	[tilespmem:$0x5000] =	vst v3  }
0x55: {  	v3 =	vld [tilespmem:s30+$0x10];
	_ =	sdelay $0x4  }
0x56: {  	v3 =	vadd.s32 v0, v3  }
0x57: {  	[tilespmem:$0x5010] =	vst v3  }
0x58: {  	v3 =	vld [tilespmem:s30+$0x20];
	_ =	sdelay $0x4  }
0x59: {  	v3 =	vadd.s32 v0, v3  }
0x5a: {  	[tilespmem:$0x5020] =	vst v3  }
0x5b: {  	v3 =	vld [tilespmem:s30+$0x30];
	_ =	sdelay $0x4  }
0x5c: {  	v3 =	vadd.s32 v0, v3  }
0x5d: {  	[tilespmem:$0x5030] =	vst v3  }
0x5e: {  	v3 =	vld [tilespmem:s30+$0x40];
	_ =	sdelay $0x4  }
0x5f: {  	v3 =	vadd.s32 v0, v3  }
0x60: {  	[tilespmem:$0x5040] =	vst v3  }
0x61: {  	v3 =	vld [tilespmem:s30+$0x50];
	_ =	sdelay $0x4  }
0x62: {  	v3 =	vadd.s32 v0, v3  }
0x63: {  	[tilespmem:$0x5050] =	vst v3  }
0x64: {  	v3 =	vld [tilespmem:s30+$0x60];
	_ =	sdelay $0x4  }
0x65: {  	v3 =	vadd.s32 v0, v3  }
0x66: {  	[tilespmem:$0x5060] =	vst v3  }
0x67: {  	v3 =	vld [tilespmem:s30+$0x70];
	_ =	sdelay $0x4  }
0x68: {  	v3 =	vadd.s32 v0, v3  }
0x69: {  	[tilespmem:$0x5070] =	vst v3  }
0x6a: {  	[tilespmem:s25], [sflag:$0x1] =	stream.indirect.gather [hbm4b:s4+s23], $0x80, s24, s23, $0xb8;
	[tilespmem:$0x1F080] =	vst v63  }
0x6b: {  	_ =	swait.ge [sflag:s26], $0x4000  }
0x6c: {  	[sflag:s26] =	ssyncset.done $0x0  }
0x6d: {  	s31 =	simm.s32 $0x2800;
	[sflag:s26] =	ssyncadd.s32 $0xFFFFC000  }
0x6e: {  	[spmem:s2] =	stream.indirect.scatter.add.f32 [tilespmem:s25], [sflag:$0x2], $0x80, s31, s23, $0xb8;
	[tilespmem:$0x1F080] =	vst v63  }
0x6f: {  	_ =	swait.ge [sflag:s20], $0x4000  }
0x70: {  	s29 =	simm.s32 $0x200;
	s21 =	simm.s32 $0x400;
	[sflag:s20] =	ssyncset.done $0x0  }
.LBB2_4:
0x71: {  	s0 =	sshra.s32 s29, $0x2  }
0x72: {  	[sflag:s20] =	ssyncadd.s32 $0xFFFFC000;
	s29 =	smov.u32 s21;
	s30 =	sadd.s32 $0x200, s21  }
0x73: {  	p0 =	sne.s32 s21, $0x9E00;
	v3 =	vld [tilespmem:s0+$0x0];
	_ =	sdelay $0x4  }
0x74: {  	v3 =	vadd.s32 v0, v3  }
0x75: {  	[tilespmem:$0x5000] =	vst v3  }
0x76: {  	v3 =	vld [tilespmem:s0+$0x10];
	_ =	sdelay $0x4  }
0x77: {  	v3 =	vadd.s32 v0, v3  }
0x78: {  	[tilespmem:$0x5010] =	vst v3  }
0x79: {  	v3 =	vld [tilespmem:s0+$0x20];
	_ =	sdelay $0x4  }
0x7a: {  	v3 =	vadd.s32 v0, v3  }
0x7b: {  	[tilespmem:$0x5020] =	vst v3  }
0x7c: {  	v3 =	vld [tilespmem:s0+$0x30];
	_ =	sdelay $0x4  }
0x7d: {  	v3 =	vadd.s32 v0, v3  }
0x7e: {  	[tilespmem:$0x5030] =	vst v3  }
0x7f: {  	v3 =	vld [tilespmem:s0+$0x40];
	_ =	sdelay $0x4  }
0x80: {  	v3 =	vadd.s32 v0, v3  }
0x81: {  	[tilespmem:$0x5040] =	vst v3  }
0x82: {  	v3 =	vld [tilespmem:s0+$0x50];
	_ =	sdelay $0x4  }
0x83: {  	v3 =	vadd.s32 v0, v3  }
0x84: {  	[tilespmem:$0x5050] =	vst v3  }
0x85: {  	v3 =	vld [tilespmem:s0+$0x60];
	_ =	sdelay $0x4  }
0x86: {  	v3 =	vadd.s32 v0, v3  }
0x87: {  	[tilespmem:$0x5060] =	vst v3  }
0x88: {  	v3 =	vld [tilespmem:s0+$0x70];
	_ =	sdelay $0x4  }
0x89: {  	v3 =	vadd.s32 v0, v3  }
0x8a: {  	[tilespmem:$0x5070] =	vst v3  }
0x8b: {  	[tilespmem:s25], [sflag:$0x1] =	stream.indirect.gather [hbm4b:s4+s23], $0x80, s24, s23, $0xb8;
	[tilespmem:$0x1F080] =	vst v63  }
0x8c: {  	_ =	swait.ge [sflag:s26], $0x4000  }
.Ltmp1:
0x8d: {  	[sflag:s26] =	ssyncset.done $0x0;
	(pc) =	sbr.rel @p0 .LBB2_4-.Ltmp1, $4  }
0x8e: {  	s0 =	sadd.s32 $0x2800, s0;
	[sflag:s26] =	ssyncadd.s32 $0xFFFFC000  }
0x8f: {  	[spmem:s2] =	stream.indirect.scatter.add.f32 [tilespmem:s25], [sflag:$0x2], $0x80, s0, s23, $0xb8;
	[tilespmem:$0x1F080] =	vst v63  }
0x90: {  	_ =	swait.ge [sflag:s20], $0x4000  }
0x91: {  	s21 =	smov.u32 s30;
	[sflag:s20] =	ssyncset.done $0x0  }
0x92: {  	s0 =	sshra.s32 s29, $0x2;
	[sflag:s20] =	ssyncadd.s32 $0xFFFFC000  }
0x93: {  	v3 =	vld [tilespmem:s0+$0x0];
	_ =	sdelay $0x4  }
0x94: {  	v3 =	vadd.s32 v0, v3  }
0x95: {  	[tilespmem:$0x5000] =	vst v3  }
0x96: {  	v3 =	vld [tilespmem:s0+$0x10];
	_ =	sdelay $0x4  }
0x97: {  	v3 =	vadd.s32 v0, v3  }
0x98: {  	[tilespmem:$0x5010] =	vst v3  }
0x99: {  	v3 =	vld [tilespmem:s0+$0x20];
	_ =	sdelay $0x4  }
0x9a: {  	v3 =	vadd.s32 v0, v3  }
0x9b: {  	[tilespmem:$0x5020] =	vst v3  }
0x9c: {  	v3 =	vld [tilespmem:s0+$0x30];
	_ =	sdelay $0x4  }
0x9d: {  	v3 =	vadd.s32 v0, v3  }
0x9e: {  	[tilespmem:$0x5030] =	vst v3  }
0x9f: {  	v3 =	vld [tilespmem:s0+$0x40];
	_ =	sdelay $0x4  }
0xa0: {  	v3 =	vadd.s32 v0, v3  }
0xa1: {  	[tilespmem:$0x5040] =	vst v3  }
0xa2: {  	v3 =	vld [tilespmem:s0+$0x50];
	_ =	sdelay $0x4  }
0xa3: {  	v3 =	vadd.s32 v0, v3  }
0xa4: {  	[tilespmem:$0x5050] =	vst v3  }
0xa5: {  	v3 =	vld [tilespmem:s0+$0x60];
	_ =	sdelay $0x4  }
0xa6: {  	v3 =	vadd.s32 v0, v3  }
0xa7: {  	[tilespmem:$0x5060] =	vst v3  }
0xa8: {  	v3 =	vld [tilespmem:s0+$0x70];
	_ =	sdelay $0x4  }
0xa9: {  	v3 =	vadd.s32 v0, v3  }
0xaa: {  	[tilespmem:$0x5070] =	vst v3  }
0xab: {  	[tilespmem:s25], [sflag:$0x1] =	stream.indirect.gather [hbm4b:s4+s23], $0x80, s24, s23, $0xb8;
	[tilespmem:$0x1F080] =	vst v63  }
0xac: {  	_ =	swait.ge [sflag:s26], $0x4000  }
0xad: {  	[sflag:s26] =	ssyncset.done $0x0  }
0xae: {  	s0 =	sadd.s32 $0x2800, s0;
	[sflag:s26] =	ssyncadd.s32 $0xFFFFC000  }
0xaf: {  	[spmem:s2] =	stream.indirect.scatter.add.f32 [tilespmem:s25], [sflag:$0x2], $0x80, s0, s23, $0xb8;
	[tilespmem:$0x1F080] =	vst v63  }
0xb0: {  	_ =	swait.ge [sflag:s20], $0x4000  }
0xb1: {  	s21 =	stileid.u32;
	[sflag:s20] =	ssyncset.done $0x0  }
0xb2: {  	s0 =	sshll.u32 s21, $0x6;
	[sflag:s20] =	ssyncadd.s32 $0xFFFFC000  }
0xb3: {  	s30 =	sshrl.u32 s7, $0x3;
	s29 =	sor.u32 $0x1C02, s0;
	[bflag:$0x0] =	sbarrier.arrive $0xFFFF  }
0xb4: {  	[hbm:s8], [sflag:s29] =	dma.local [spmem:s30], $0x2800  }
0xb5: {  	_ =	swait.ge [sflag:s20], $0x2800  }
0xb6: {  	[sflag:s20] =	ssyncset.done $0x0  }
0xb7: {  	[sflag:s20] =	ssyncadd.s32 $0xFFFFD800  }
0xb8: {  	[spmem:s7] =	stream.linear.scatter [tilespmem:s22], [sflag:$0x2], $0x2000, $0x38;
	[tilespmem:$0x1F080] =	vst v63  }
0xb9: {  	_ =	swait.ge [sflag:s20], $0x2000  }
0xba: {  	[sflag:s20] =	ssyncset.done $0x0  }
0xbb: {  	[sflag:s20] =	ssyncadd.s32 $0xFFFFE000  }
0xbc: {  	[spmem:s11] =	stream.linear.scatter [tilespmem:s22], [sflag:$0x2], $0x2000, $0x38;
	[tilespmem:$0x1F080] =	vst v63  }
0xbd: {  	_ =	swait.ge [sflag:s20], $0x2000  }
0xbe: {  	[sflag:s20] =	ssyncset.done $0x0  }
0xbf: {  	[sflag:s20] =	ssyncadd.s32 $0xFFFFE000  }
0xc0: {  	[spmem:s12] =	stream.linear.scatter [tilespmem:s22], [sflag:$0x2], $0x2000, $0x38;
	[tilespmem:$0x1F080] =	vst v63  }
0xc1: {  	_ =	swait.ge [sflag:s20], $0x2000  }
0xc2: {  	[sflag:s20] =	ssyncset.done $0x0  }
0xc3: {  	[sflag:s20] =	ssyncadd.s32 $0xFFFFE000  }
0xc4: {  	[spmem:s13] =	stream.linear.scatter [tilespmem:s22], [sflag:$0x2], $0x2000, $0x38;
	[tilespmem:$0x1F080] =	vst v63  }
0xc5: {  	_ =	swait.ge [sflag:s20], $0x2000  }
0xc6: {  	[sflag:s20] =	ssyncset.done $0x0  }
0xc7: {  	[sflag:s20] =	ssyncadd.s32 $0xFFFFE000  }
0xc8: {  	[spmem:s14] =	stream.linear.scatter [tilespmem:s22], [sflag:$0x2], $0x2000, $0x38;
	[tilespmem:$0x1F080] =	vst v63  }
0xc9: {  	_ =	swait.ge [sflag:s20], $0x2000  }
0xca: {  	[sflag:s20] =	ssyncset.done $0x0  }
0xcb: {  	[sflag:s20] =	ssyncadd.s32 $0xFFFFE000  }
0xcc: {  	[spmem:s15] =	stream.linear.scatter [tilespmem:s22], [sflag:$0x2], $0x2000, $0x38;
	[tilespmem:$0x1F080] =	vst v63  }
0xcd: {  	_ =	swait.ge [sflag:s20], $0x2000  }
0xce: {  	[sflag:s20] =	ssyncset.done $0x0  }
0xcf: {  	[sflag:s20] =	ssyncadd.s32 $0xFFFFE000  }
0xd0: {  	[spmem:s16] =	stream.linear.scatter [tilespmem:s22], [sflag:$0x2], $0x2000, $0x38;
	[tilespmem:$0x1F080] =	vst v63  }
0xd1: {  	_ =	swait.ge [sflag:s20], $0x2000  }
0xd2: {  	[sflag:s20] =	ssyncset.done $0x0  }
0xd3: {  	[sflag:s20] =	ssyncadd.s32 $0xFFFFE000  }
0xd4: {  	[spmem:s17] =	stream.linear.scatter [tilespmem:s22], [sflag:$0x2], $0x2000, $0x38;
	[tilespmem:$0x1F080] =	vst v63  }
0xd5: {  	_ =	swait.ge [sflag:s20], $0x2000  }
0xd6: {  	[sflag:s20] =	ssyncset.done $0x0  }
0xd7: {  	[sflag:s20] =	ssyncadd.s32 $0xFFFFE000  }
0xd8: {  	[spmem:s18] =	stream.linear.scatter [tilespmem:s22], [sflag:$0x2], $0x2000, $0x38;
	[tilespmem:$0x1F080] =	vst v63  }
0xd9: {  	_ =	swait.ge [sflag:s20], $0x2000  }
0xda: {  	[sflag:s20] =	ssyncset.done $0x0  }
0xdb: {  	[sflag:s20] =	ssyncadd.s32 $0xFFFFE000  }
0xdc: {  	[spmem:s19] =	stream.linear.scatter [tilespmem:s22], [sflag:$0x2], $0x2000, $0x38;
	[tilespmem:$0x1F080] =	vst v63  }
0xdd: {  	_ =	swait.ge [sflag:s20], $0x2000  }
0xde: {  	[sflag:s20] =	ssyncset.done $0x0  }
0xdf: {  	[sflag:s20] =	ssyncadd.s32 $0xFFFFE000  }
0xe0: {  	s1 =	simm.s32 $0x0;
	[bflag:$0x0] =	sbarrier.arrive $0xFFFF  }
0xe1: {  	v3 =	vld [tilespmem:s1+$0x0];
	_ =	sdelay $0x4  }
0xe2: {  	v3 =	vadd.s32 v1, v3  }
0xe3: {  	[tilespmem:$0x5000] =	vst v3  }
0xe4: {  	v3 =	vld [tilespmem:s1+$0x10];
	_ =	sdelay $0x4  }
0xe5: {  	v3 =	vadd.s32 v1, v3  }
0xe6: {  	[tilespmem:$0x5010] =	vst v3  }
0xe7: {  	v3 =	vld [tilespmem:s1+$0x20];
	_ =	sdelay $0x4  }
0xe8: {  	v3 =	vadd.s32 v1, v3  }
0xe9: {  	[tilespmem:$0x5020] =	vst v3  }
0xea: {  	v3 =	vld [tilespmem:s1+$0x30];
	_ =	sdelay $0x4  }
0xeb: {  	v3 =	vadd.s32 v1, v3  }
0xec: {  	[tilespmem:$0x5030] =	vst v3  }
0xed: {  	v3 =	vld [tilespmem:s1+$0x40];
	_ =	sdelay $0x4  }
0xee: {  	v3 =	vadd.s32 v1, v3  }
0xef: {  	[tilespmem:$0x5040] =	vst v3  }
0xf0: {  	v3 =	vld [tilespmem:s1+$0x50];
	_ =	sdelay $0x4  }
0xf1: {  	v3 =	vadd.s32 v1, v3  }
0xf2: {  	[tilespmem:$0x5050] =	vst v3  }
0xf3: {  	v3 =	vld [tilespmem:s1+$0x60];
	_ =	sdelay $0x4  }
0xf4: {  	v3 =	vadd.s32 v1, v3  }
0xf5: {  	[tilespmem:$0x5060] =	vst v3  }
0xf6: {  	v3 =	vld [tilespmem:s1+$0x70];
	_ =	sdelay $0x4  }
0xf7: {  	v3 =	vadd.s32 v1, v3  }
0xf8: {  	[tilespmem:$0x5070] =	vst v3  }
0xf9: {  	[tilespmem:s25], [sflag:$0x1] =	stream.indirect.gather [hbm4b:s4+s23], $0x80, s24, s23, $0xb8;
	[tilespmem:$0x1F080] =	vst v63  }
0xfa: {  	_ =	swait.ge [sflag:s26], $0x4000  }
0xfb: {  	[sflag:s26] =	ssyncset.done $0x0  }
0xfc: {  	s21 =	simm.s32 $0x2800;
	[sflag:s26] =	ssyncadd.s32 $0xFFFFC000  }
0xfd: {  	[spmem:s2] =	stream.indirect.scatter.add.f32 [tilespmem:s25], [sflag:$0x2], $0x80, s21, s23, $0xb8;
	[tilespmem:$0x1F080] =	vst v63  }
0xfe: {  	_ =	swait.ge [sflag:s20], $0x4000  }
0xff: {  	s31 =	simm.s32 $0x200;
	s0 =	simm.s32 $0x400;
	[sflag:s20] =	ssyncset.done $0x0  }
.LBB2_6:
0x100: {  	s21 =	sshra.s32 s31, $0x2  }
0x101: {  	[sflag:s20] =	ssyncadd.s32 $0xFFFFC000;
	s31 =	smov.u32 s0;
	s1 =	sadd.s32 $0x200, s0  }
0x102: {  	p0 =	sne.s32 s0, $0x9E00;
	v3 =	vld [tilespmem:s21+$0x0];
	_ =	sdelay $0x4  }
0x103: {  	v3 =	vadd.s32 v1, v3  }
0x104: {  	[tilespmem:$0x5000] =	vst v3  }
0x105: {  	v3 =	vld [tilespmem:s21+$0x10];
	_ =	sdelay $0x4  }
0x106: {  	v3 =	vadd.s32 v1, v3  }
0x107: {  	[tilespmem:$0x5010] =	vst v3  }
0x108: {  	v3 =	vld [tilespmem:s21+$0x20];
	_ =	sdelay $0x4  }
0x109: {  	v3 =	vadd.s32 v1, v3  }
0x10a: {  	[tilespmem:$0x5020] =	vst v3  }
0x10b: {  	v3 =	vld [tilespmem:s21+$0x30];
	_ =	sdelay $0x4  }
0x10c: {  	v3 =	vadd.s32 v1, v3  }
0x10d: {  	[tilespmem:$0x5030] =	vst v3  }
0x10e: {  	v3 =	vld [tilespmem:s21+$0x40];
	_ =	sdelay $0x4  }
0x10f: {  	v3 =	vadd.s32 v1, v3  }
0x110: {  	[tilespmem:$0x5040] =	vst v3  }
0x111: {  	v3 =	vld [tilespmem:s21+$0x50];
	_ =	sdelay $0x4  }
0x112: {  	v3 =	vadd.s32 v1, v3  }
0x113: {  	[tilespmem:$0x5050] =	vst v3  }
0x114: {  	v3 =	vld [tilespmem:s21+$0x60];
	_ =	sdelay $0x4  }
0x115: {  	v3 =	vadd.s32 v1, v3  }
0x116: {  	[tilespmem:$0x5060] =	vst v3  }
0x117: {  	v3 =	vld [tilespmem:s21+$0x70];
	_ =	sdelay $0x4  }
0x118: {  	v3 =	vadd.s32 v1, v3  }
0x119: {  	[tilespmem:$0x5070] =	vst v3  }
0x11a: {  	[tilespmem:s25], [sflag:$0x1] =	stream.indirect.gather [hbm4b:s4+s23], $0x80, s24, s23, $0xb8;
	[tilespmem:$0x1F080] =	vst v63  }
0x11b: {  	_ =	swait.ge [sflag:s26], $0x4000  }
.Ltmp2:
0x11c: {  	[sflag:s26] =	ssyncset.done $0x0;
	(pc) =	sbr.rel @p0 .LBB2_6-.Ltmp2, $4  }
0x11d: {  	s0 =	sadd.s32 $0x2800, s21;
	[sflag:s26] =	ssyncadd.s32 $0xFFFFC000  }
0x11e: {  	[spmem:s2] =	stream.indirect.scatter.add.f32 [tilespmem:s25], [sflag:$0x2], $0x80, s0, s23, $0xb8;
	[tilespmem:$0x1F080] =	vst v63  }
0x11f: {  	_ =	swait.ge [sflag:s20], $0x4000  }
0x120: {  	s0 =	smov.u32 s1;
	[sflag:s20] =	ssyncset.done $0x0  }
0x121: {  	s0 =	sshra.s32 s31, $0x2;
	[sflag:s20] =	ssyncadd.s32 $0xFFFFC000  }
0x122: {  	v3 =	vld [tilespmem:s0+$0x0];
	_ =	sdelay $0x4  }
0x123: {  	v3 =	vadd.s32 v1, v3  }
0x124: {  	[tilespmem:$0x5000] =	vst v3  }
0x125: {  	v3 =	vld [tilespmem:s0+$0x10];
	_ =	sdelay $0x4  }
0x126: {  	v3 =	vadd.s32 v1, v3  }
0x127: {  	[tilespmem:$0x5010] =	vst v3  }
0x128: {  	v3 =	vld [tilespmem:s0+$0x20];
	_ =	sdelay $0x4  }
0x129: {  	v3 =	vadd.s32 v1, v3  }
0x12a: {  	[tilespmem:$0x5020] =	vst v3  }
0x12b: {  	v3 =	vld [tilespmem:s0+$0x30];
	_ =	sdelay $0x4  }
0x12c: {  	v3 =	vadd.s32 v1, v3  }
0x12d: {  	[tilespmem:$0x5030] =	vst v3  }
0x12e: {  	v3 =	vld [tilespmem:s0+$0x40];
	_ =	sdelay $0x4  }
0x12f: {  	v3 =	vadd.s32 v1, v3  }
0x130: {  	[tilespmem:$0x5040] =	vst v3  }
0x131: {  	v3 =	vld [tilespmem:s0+$0x50];
	_ =	sdelay $0x4  }
0x132: {  	v3 =	vadd.s32 v1, v3  }
0x133: {  	[tilespmem:$0x5050] =	vst v3  }
0x134: {  	v3 =	vld [tilespmem:s0+$0x60];
	_ =	sdelay $0x4  }
0x135: {  	v3 =	vadd.s32 v1, v3  }
0x136: {  	[tilespmem:$0x5060] =	vst v3  }
0x137: {  	v3 =	vld [tilespmem:s0+$0x70];
	_ =	sdelay $0x4  }
0x138: {  	v3 =	vadd.s32 v1, v3  }
0x139: {  	[tilespmem:$0x5070] =	vst v3  }
0x13a: {  	[tilespmem:s25], [sflag:$0x1] =	stream.indirect.gather [hbm4b:s4+s23], $0x80, s24, s23, $0xb8;
	[tilespmem:$0x1F080] =	vst v63  }
0x13b: {  	_ =	swait.ge [sflag:s26], $0x4000  }
0x13c: {  	[sflag:s26] =	ssyncset.done $0x0  }
0x13d: {  	s0 =	sadd.s32 $0x2800, s0;
	[sflag:s26] =	ssyncadd.s32 $0xFFFFC000  }
0x13e: {  	[spmem:s2] =	stream.indirect.scatter.add.f32 [tilespmem:s25], [sflag:$0x2], $0x80, s0, s23, $0xb8;
	[tilespmem:$0x1F080] =	vst v63  }
0x13f: {  	_ =	swait.ge [sflag:s20], $0x4000  }
0x140: {  	s28 =	sadd.s32 $0x1, s28;
	[sflag:s20] =	ssyncset.done $0x0  }
0x141: {  	p0 =	sne.s32 s28, s10;
	[sflag:s20] =	ssyncadd.s32 $0xFFFFC000  }
.Ltmp3:
0x142: {  	[bflag:$0x0] =	sbarrier.arrive $0xFFFF;
	(pc) =	sbr.rel @p0 .LBB2_1-.Ltmp3, $4  }
0x143: {  	[hbm:s9], [sflag:s29] =	dma.local [spmem:s30], $0x2800  }
0x144: {  	_ =	swait.ge [sflag:s20], $0x2800  }
0x145: {  	[sflag:s20] =	ssyncset.done $0x0  }
0x146: {  	[sflag:s20] =	ssyncadd.s32 $0xFFFFD800  }
0x147: {  	_ =	sfence.sel $0x180000  }
0x148: {  	[bflag:$0x0] =	sbarrier.arrive $0xFFFF  }
0x149: {  	_ =	strace $0x9000004A  }
0x14a: {  	s0 =	stileid.u32;
	[bflag:$0x2] =	sbarrier.arrive $0xFFFF  }
0x14b: {  	p0 =	sne.s32 s0, $0x0;
	s0 =	rddreg [dreg:$0x2]  }
0x14c: {  	s0 =	sadd.s32 @!p0 $0x100000, s0  }
0x14d: {  	[sflag:s0] =	ssyncadd.tile.s32 @!p0 $0x1;
	_ =	shalt  }
.Lfunc_end2:
_tile_overlayer_lowered:
.L_overlay_start_2:
0x14e: {  	(tag) =	ssettag $0x2  }
0x14f: {  	s0 =	rddreg [dreg:$0x0];
	s2 =	stileid.u32  }
0x150: {  	s1 =	rddreg [dreg:$0x1];
	p0 =	sne.s32 s2, $0x0  }
0x151: {  	s3 =	rddreg [dreg:$0x2];
	[bflag:$0x3] =	sbarrier.arrive $0xFFFF;
	s2 =	simm.s32 @!p0 $0x1C02  }
0x152: {  	[timem:s3], [sflag:s2] =	dma.local @!p0 [hbm:s0], s1  }
0x153: {  	s0 =	simm.s32 @!p0 $0x2  }
0x154: {  	_ =	swait.ge @!p0 [sflag:s0], s1  }
0x155: {  	s1 =	ssub.s32 @!p0 $0x0, s1;
	[sflag:s0] =	ssyncset.done @!p0 $0x0  }
0x156: {  	[sflag:s0] =	ssyncadd.s32 @!p0 s1  }
0x157: {  	[bflag:$0x3] =	sbarrier.arrive $0xFFFF  }
0x158: {  	_ =	shalt  }

// kernel: kernel.14.cloned.1.call-start
scs
__scs_entry_jumppad:
0x0: {  	(pc) =	sbr.rel $0x88, $3  }
0x1: {  	(tag) =	ssettag $0x0;
	lr =	simm.s32 $0x1  }
0x2: {  	[smem:$0x3F9B] =	sst lr;
	_ =	strace $0xD0000000  }
0x3: {  	_ = 	snop  }
0x4: {  	_ = 	snop  }
0x5: {  	_ = 	snop  }
0x6: {  	_ = 	snop  }
0x7: {  	_ = 	snop  }
__scs_overlays_trampoline_lowered:
0x8: {  	[smem:$0x3FAA] =	sst s0  }
0x9: {  	[smem:$0x3FAB] =	sst s1  }
0xa: {  	[smem:$0x3FAC] =	sst s2  }
0xb: {  	[smem:$0x3FAD] =	sst s3  }
0xc: {  	[smem:$0x3FAE] =	sst s4  }
0xd: {  	[smem:$0x3FAF] =	sst s5  }
0xe: {  	[smem:$0x3FB0] =	sst s6  }
0xf: {  	[smem:$0x3FB1] =	sst s7  }
0x10: {  	[smem:$0x3FB2] =	sst s8  }
0x11: {  	[smem:$0x3FB3] =	sst s9;
	s0 =	simm.s32 @!p0 $0x0  }
0x12: {  	s1 =	sld [smem:$0x3F99];
	s0 =	simm.s32 @p0 $0x1  }
0x13: {  	[smem:$0x3FB4] =	sst s0;
	s0 =	simm.s32 @!p1 $0x0  }
0x14: {  	s2 =	sld [smem:$0x3F98];
	s0 =	simm.s32 @p1 $0x1  }
0x15: {  	[smem:$0x3FB5] =	sst s0;
	s0 =	simm.s32 @!p2 $0x0  }
0x16: {  	s3 =	sld [smem:$0x3FDB];
	s0 =	simm.s32 @p2 $0x1  }
0x17: {  	s4 =	simm.s32 $0x1BF5;
	[smem:$0x3FB7] =	sst s0  }
0x18: {  	s0 =	sld [smem:$0x3F9A];
	_ =	swait.ge [sflag:s4], $0x0  }
0x19: {  	s7 =	sld [smem:$0x3F9B]  }
0x1a: {  	s8 =	sadd.s32 $0xFFFFE003, lr  }
0x1b: {  	s9 =	sadd.s32 $0xFFFFFEF7, lr;
	s5 =	simm.s32 $0xFFFFFFFF;
	p2 =	slt.u32 s8, $0xFFFFF086  }
0x1c: {  	p1 =	slt.u32 s9, $0xF7A;
	s5 =	simm.s32 @!p2 $0x0  }
0x1d: {  	s5 =	simm.s32 @p1 $0x1;
	p0 =	seq.s32 s7, s2  }
0x1e: {  	s7 =	smul.u32 @!p0 $0xF7A, s2;
	p2 =	seq.s32 @!p0 s5, $0x0  }
0x1f: {  	s9 =	smul.u32 $0xF7A, s1;
	s8 =	simm.s32 @!p0 $0x1BF5;
	p2 =	por !p2, p0  }
0x20: {  	[sflag:s8] =	ssyncset.s32 @!p0 $0xFFFFF086;
	s6 =	sadd.s32 @!p0 s3, s7;
	s7 =	simm.s32 @!p0 $0x108  }
0x21: {  	s3 =	sadd.s32 s3, s9;
	s6 =	sadd.s32 @!p0 $0x88, s6;
	s7 =	simm.s32 @p2 $0x1082  }
0x22: {  	[simem:s7], [sflag:s8] =	dma.local @!p0 [hbm:s6], $0xF7A  }
0x23: {  	s9 =	sor.u32 $0xD0000000, s2;
	s6 =	simm.s32 $0x108;
	_ =	swait.ge @!p0 [sflag:s8], $0x0  }
0x24: {  	s3 =	sadd.s32 $0x88, s3;
	s6 =	simm.s32 @!p1 $0x1082;
	[sflag:s4] =	ssyncset.s32 $0xFFFFF086  }
0x25: {  	[simem:s6], [sflag:s4] =	dma.local [hbm:s3], $0xF7A  }
0x26: {  	[smem:$0x3F9B] =	sst s1;
	(tag) =	ssettag s2;
	_ =	strace s9  }
0x27: {  	s1 =	sld [smem:$0x3FAB]  }
0x28: {  	s2 =	sld [smem:$0x3FAC]  }
0x29: {  	s4 =	sld [smem:$0x3FAE]  }
0x2a: {  	p0 =	seq.s32 s5, $0x0;
	s5 =	sld [smem:$0x3FAF]  }
0x2b: {  	s6 =	sld [smem:$0x3FB0]  }
0x2c: {  	s7 =	sld [smem:$0x3FB1]  }
0x2d: {  	s3 =	simm.s32 $0x108;
	s8 =	sld [smem:$0x3FB2]  }
0x2e: {  	s3 =	simm.s32 @!p0 $0x1082;
	s9 =	sld [smem:$0x3FB3]  }
0x2f: {  	lr =	sadd.s32 s0, s3;
	s0 =	sld [smem:$0x3FAA]  }
0x30: {  	s3 =	sld [smem:$0x3FAD]  }
0x31: {  	[smem:$0x3FB6] =	sst s10  }
0x32: {  	s10 =	sld [smem:$0x3FB4];
	_ =	sdelay $0x3  }
0x33: {  	p0 =	seq.s32 s10, $0x1;
	s10 =	sld [smem:$0x3FB6];
	_ =	sdelay $0x3  }
0x34: {  	[smem:$0x3FB6] =	sst s10  }
0x35: {  	s10 =	sld [smem:$0x3FB5];
	_ =	sdelay $0x3  }
0x36: {  	p1 =	seq.s32 s10, $0x1;
	s10 =	sld [smem:$0x3FB6];
	_ =	sdelay $0x3  }
0x37: {  	[smem:$0x3FB6] =	sst s10  }
0x38: {  	s10 =	sld [smem:$0x3FB7]  }
0x39: {  	_ = 	snop;
	(pc) =	sbr.ind lr, $3  }
0x3a: {  	_ = 	snop  }
0x3b: {  	_ = 	snop  }
0x3c: {  	p2 =	seq.s32 s10, $0x1;
	s10 =	sld [smem:$0x3FB6]  }
0x3d: {  	_ =	shalt  }
0x3e: {  	_ =	shalt  }
0x3f: {  	_ =	shalt  }
0x40: {  	_ =	shalt  }
0x41: {  	_ =	shalt  }
0x42: {  	_ =	shalt  }
0x43: {  	_ =	shalt  }
0x44: {  	_ =	shalt  }
0x45: {  	_ =	shalt  }
0x46: {  	_ =	shalt  }
0x47: {  	_ =	shalt  }
0x48: {  	_ =	shalt  }
0x49: {  	_ =	shalt  }
0x4a: {  	_ =	shalt  }
0x4b: {  	_ =	shalt  }
0x4c: {  	_ =	shalt  }
0x4d: {  	_ =	shalt  }
0x4e: {  	_ =	shalt  }
0x4f: {  	_ =	shalt  }
0x50: {  	_ =	shalt  }
0x51: {  	_ =	shalt  }
0x52: {  	_ =	shalt  }
0x53: {  	_ =	shalt  }
0x54: {  	_ =	shalt  }
0x55: {  	_ =	shalt  }
0x56: {  	_ =	shalt  }
0x57: {  	_ =	shalt  }
0x58: {  	_ =	shalt  }
0x59: {  	_ =	shalt  }
0x5a: {  	_ =	shalt  }
0x5b: {  	_ =	shalt  }
0x5c: {  	_ =	shalt  }
0x5d: {  	_ =	shalt  }
0x5e: {  	_ =	shalt  }
0x5f: {  	_ =	shalt  }
0x60: {  	_ =	shalt  }
0x61: {  	_ =	shalt  }
0x62: {  	_ =	shalt  }
0x63: {  	_ =	shalt  }
0x64: {  	_ =	shalt  }
0x65: {  	_ =	shalt  }
0x66: {  	_ =	shalt  }
0x67: {  	_ =	shalt  }
0x68: {  	_ =	shalt  }
0x69: {  	_ =	shalt  }
0x6a: {  	_ =	shalt  }
0x6b: {  	_ =	shalt  }
0x6c: {  	_ =	shalt  }
0x6d: {  	_ =	shalt  }
0x6e: {  	_ =	shalt  }
0x6f: {  	_ =	shalt  }
0x70: {  	_ =	shalt  }
0x71: {  	_ =	shalt  }
0x72: {  	_ =	shalt  }
0x73: {  	_ =	shalt  }
0x74: {  	_ =	shalt  }
0x75: {  	_ =	shalt  }
0x76: {  	_ =	shalt  }
0x77: {  	_ =	shalt  }
0x78: {  	_ =	shalt  }
0x79: {  	_ =	shalt  }
0x7a: {  	_ =	shalt  }
0x7b: {  	_ =	shalt  }
0x7c: {  	_ =	shalt  }
0x7d: {  	_ =	shalt  }
0x7e: {  	_ =	shalt  }
0x7f: {  	_ =	shalt  }
0x80: {  	_ =	shalt  }
0x81: {  	_ =	shalt  }
0x82: {  	_ =	shalt  }
0x83: {  	_ =	shalt  }
0x84: {  	_ =	shalt  }
0x85: {  	_ =	shalt  }
0x86: {  	_ =	shalt  }
0x87: {  	_ =	shalt  }
.Lfunc_end0:
.L_simem_size_0:
called_computation.2_lowered:
.L_overlay_start_0:
0x88: {  	s2 =	sld [smem:$0x3FD9]  }
0x89: {  	s3 =	sld [smem:$0x3FFE];
	_ =	sdelay $0x1  }
0x8a: {  	s1 =	srdreg.scid  }
0x8b: {  	s0 =	sand.u32 $0x1, s1  }
0x8c: {  	s16 =	sshll.u32 s0, $0xA;
	s2 =	sadd.s32 s3, s2  }
0x8d: {  	s2 =	sadd.s32 s2, s16  }
0x8e: {  	[smem:$0x3FC2] =	sst s2  }
0x8f: {  	_ = 	snop  }
0x90: {  	(tm) =	ssettm $0x1  }
0x91: {  	s17 =	sld [smem:$0x3FFB];
	_ =	sdelay $0x3  }
0x92: {  	_ =	strace s17  }
0x93: {  	s2 =	sld [smem:$0x3FFC];
	_ =	sdelay $0x3  }
0x94: {  	_ =	strace s2  }
0x95: {  	s2 =	sld [smem:$0x3FFD];
	_ =	sdelay $0x3  }
0x96: {  	_ =	strace s2  }
0x97: {  	_ =	strace $0x8FFFFFFF  }
0x98: {  	s18 =	sld [smem:$0x3FDB];
	_ =	sdelay $0x1  }
0x99: {  	s19 =	simm.s32 $_scs_section_size  }
0x9a: {  	s4 =	simm.s32 $_size__tile_overlayer_lowered;
	s5 =	simm.s32 $_tile_overlayer_lowered  }
0x9b: {  	s22 =	simm.s32 $0x1BFF;
	s21 =	sshll.u32 s5, $0x1;
	s2 =	sadd.s32 s19, s18  }
0x9c: {  	s6 =	simm.s32 $0x0;
	s20 =	sshll.u32 s4, $0x1;
	s4 =	sadd.s32 s21, s2  }
0x9d: {  	[timem:s6], [sflag:s22] =	dma.local [hbm:s4], s20  }
0x9e: {  	_ =	swait.ge [sflag:s22], s20  }
0x9f: {  	s3 =	ssub.s32 $0x0, s20;
	[sflag:s22] =	ssyncset.done $0x0  }
0xa0: {  	[sflag:s22] =	ssyncadd.s32 s3;
	_ =	sdelay $0x1  }
0xa1: {  	s23 =	simm.s32 $0x1B8B  }
0xa2: {  	_ =	swait.ge [sflag:s23], $0x1  }
0xa3: {  	[sflag:s23] =	ssyncset.done $0x0  }
0xa4: {  	s25 =	simm.s32 $0x1B8E;
	s24 =	sld [smem:$0x3FFE];
	[sflag:s23] =	ssyncadd.s32 $0xFFFFFFFF  }
0xa5: {  	s26 =	simm.s32 $execute0_lowered;
	[smem:$0x3FD2] =	sst s25  }
0xa6: {  	s4 =	sshll.u32 s26, $0x1;
	_ =	strace $0x8000004C;
	[dreg:$0x1] =	wrdreg $0xFFFFFFFF  }
0xa7: {  	s28 =	simm.s32 $_size_execute0_lowered;
	s2 =	sadd.s32 s2, s4;
	[dreg:$0x0] =	wrdreg $0x0  }
0xa8: {  	s4 =	sshll.u32 s28, $0x1;
	[dreg:$0x2] =	wrdreg s2  }
0xa9: {  	[dreg:$0x3] =	wrdreg s4  }
0xaa: {  	[dreg:$0x4] =	wrdreg $0xC0  }
0xab: {  	_ =	task [dreg:s6], $0x5FFFF  }
0xac: {  	[dreg:$0x1] =	wrdreg $0xFFFFFFFF  }
0xad: {  	[dreg:$0x0] =	wrdreg $0x60  }
0xae: {  	[dreg:$0x2] =	wrdreg s24  }
0xaf: {  	[dreg:$0x3] =	wrdreg $0x88000  }
0xb0: {  	[dreg:$0x4] =	wrdreg $0x9  }
0xb1: {  	_ =	task.clear_ibuf [dreg:s6], $0x5FFFF;
	_ =	strace $0x9000004C  }
0xb2: {  	s29 =	simm.s32 $0x9;
	_ =	strace $0x8000004E  }
0xb3: {  	_ =	swait.ge [sflag:s29], $0x1  }
0xb4: {  	[sflag:s29] =	ssyncadd.s32 $0xFFFFFFFF  }
0xb5: {  	_ =	strace $0x9000004E  }
0xb6: {  	_ =	sfence  }
0xb7: {  	s30 =	sld [smem:$0x0];
	_ =	sdelay $0x2  }
0xb8: {  	s31 =	sshll.u32 s1, $0xD;
	s1 =	sshrl.u32 s1, $0x2  }
0xb9: {  	s3 =	sand.u32 $0x4000, s31;
	s1 =	sadd.s32 s1, s30  }
0xba: {  	s0 =	sor.u32 s3, s0;
	s1 =	sshll.u32 s1, $0x11  }
0xbb: {  	s0 =	sor.u32 s1, s0  }
0xbc: {  	s0 =	sadd.s32 $0x8F2B, s0  }
0xbd: {  	[sflag:s0] =	ssyncadd.remote.s32 $0x1  }
0xbe: {  	_ =	sfence.sel $0xFFFF  }
0xbf: {  	[dreg:$0x0] =	wrdreg $0xFFFFFFFF;
	(pc) =	sbr.abs _section_cstart, $3  }
0xc0: {  	[dreg:$0x1] =	wrdreg $0xFFFFFFFF  }
0xc1: {  	_ =	task.clear_ibuf [dreg:s6], $0x2FFFF;
	_ =	strace $0x9FFFFFFF  }
0xc2: {  	(tm) =	ssettm $0x7FFFFFFF  }
0xc3: {  	_ =	shalt  }
tec
execute0_lowered:
.L_overlay_start_1:
0x0: {  	(tag) =	ssettag $0x1  }
0x1: {  	s5 =	rddreg [dreg:$0x0]  }
0x2: {  	s1 =	rddreg [dreg:$0x1]  }
0x3: {  	s0 =	rddreg [dreg:$0x2];
	s3 =	simm.s32 $0x0  }
0x4: {  	s2 =	srdreg.scid;
	s19 =	simm.s32 $0x2;
	s20 =	simm.s32 $0x1400  }
0x5: {  	s21 =	simm.s32 $0x6800;
	s22 =	simm.s32 $0x80;
	s23 =	simm.s32 $0x2800  }
0x6: {  	s24 =	simm.s32 $0x1;
	[smem:$0x7FF] =	sst s3;
	s6 =	sand.u32 $0x1, s2  }
0x7: {  	s26 =	simm.s32 $0x0;
	s2 =	stileid.u32;
	s7 =	smul.u32 $0x28000, s6  }
0x8: {  	s4 =	sshll.u32 s6, $0x4;
	_ =	strace $0x8000004D;
	s9 =	smul.u32 $0x2800, s2  }
0x9: {  	s6 =	ssub.s32 $0x2, s6;
	s10 =	smul.u32 $0x50000, s2;
	s25 =	sshll.u32 s2, $0x6  }
0xa: {  	s8 =	sor.u32 s2, s4;
	s4 =	sadd.s32 $0x6000, s5;
	s30 =	sshrl.u32 s6, $0x1  }
0xb: {  	s25 =	sor.u32 $0x1C02, s25;
	s8 =	smul.u32 $0x280, s8;
	s7 =	sadd.s32 s9, s7  }
0xc: {  	s9 =	ssub.s32 s6, s30;
	s31 =	sshrl.u32 s10, $0x2;
	s11 =	sadd.s32 s7, s5  }
0xd: {  	s7 =	sadd.s32 s31, s1;
	s9 =	smax.u32 s9, $0x1;
	s8 =	sadd.s32 s8, s5  }
0xe: {  	s10 =	sadd.s32 $0x2000, s7;
	s12 =	sadd.s32 $0x6000, s7;
	s13 =	sadd.s32 $0x8000, s7  }
0xf: {  	s14 =	sadd.s32 $0xA000, s7;
	s15 =	sadd.s32 $0xC000, s7;
	s16 =	sadd.s32 $0xE000, s7  }
0x10: {  	s17 =	sadd.s32 $0x10000, s7;
	s18 =	sadd.s32 $0x12000, s7;
	s5 =	sadd.s32 $0x1DAC00, s8  }
0x11: {  	v0 =	vimm.f32 $0.0e+00;
	s6 =	sadd.s32 $0x1000, s8;
	s8 =	sadd.s32 $0x2D200, s11;
	s11 =	sadd.s32 $0x4000, s7  }
.LBB2_1:
0x12: {  	[tilespmem:s3], [sflag:$0x2] =	stream.linear.gather [hbm4b:s5+s3], $0x1400, $0x38;
	[tilespmem:$0x1C800] =	vst v63  }
0x13: {  	_ =	swait.ge [sflag:s19], $0x1400  }
0x14: {  	[sflag:s19] =	ssyncset.done $0x0  }
0x15: {  	[sflag:s19] =	ssyncadd.s32 $0xFFFFEC00  }
0x16: {  	[tilespmem:s20], [sflag:$0x2] =	stream.linear.gather [hbm4b:s6+s3], $0x1400, $0x38;
	[tilespmem:$0x1C800] =	vst v63  }
0x17: {  	_ =	swait.ge [sflag:s19], $0x1400  }
0x18: {  	[sflag:s19] =	ssyncset.done $0x0  }
0x19: {  	s28 =	simm.s32 $0x200;
	s29 =	simm.s32 $0x0;
	[sflag:s19] =	ssyncadd.s32 $0xFFFFEC00  }
.LBB2_2:
0x1a: {  	p0 =	sne.s32 s28, $0x7E00;
	[tilespmem:s29+$0x6800] =	vst v0;
	s29 =	smov.u32 s28;
	s28 =	sadd.s32 $0x200, s28  }
.Ltmp0:
0x1b: {  	(pc) =	sbr.rel @p0 .LBB2_2-.Ltmp0, $2  }
0x1c: {  	_ =	sdelay $0x2  }
0x1d: {  	s29 =	sshra.s32 s29, $0x2  }
0x1e: {  	[tilespmem:s29+$0x6800] =	vst v0  }
0x1f: {  	[spmem:s7] =	stream.linear.scatter [tilespmem:s21], [sflag:$0x2], $0x2000, $0x38;
	[tilespmem:$0x1C800] =	vst v63  }
0x20: {  	_ =	swait.ge [sflag:s19], $0x2000  }
0x21: {  	[sflag:s19] =	ssyncset.done $0x0  }
0x22: {  	[sflag:s19] =	ssyncadd.s32 $0xFFFFE000  }
0x23: {  	[spmem:s10] =	stream.linear.scatter [tilespmem:s21], [sflag:$0x2], $0x2000, $0x38;
	[tilespmem:$0x1C800] =	vst v63  }
0x24: {  	_ =	swait.ge [sflag:s19], $0x2000  }
0x25: {  	[sflag:s19] =	ssyncset.done $0x0  }
0x26: {  	[sflag:s19] =	ssyncadd.s32 $0xFFFFE000  }
0x27: {  	[spmem:s11] =	stream.linear.scatter [tilespmem:s21], [sflag:$0x2], $0x2000, $0x38;
	[tilespmem:$0x1C800] =	vst v63  }
0x28: {  	_ =	swait.ge [sflag:s19], $0x2000  }
0x29: {  	[sflag:s19] =	ssyncset.done $0x0  }
0x2a: {  	[sflag:s19] =	ssyncadd.s32 $0xFFFFE000  }
0x2b: {  	[spmem:s12] =	stream.linear.scatter [tilespmem:s21], [sflag:$0x2], $0x2000, $0x38;
	[tilespmem:$0x1C800] =	vst v63  }
0x2c: {  	_ =	swait.ge [sflag:s19], $0x2000  }
0x2d: {  	[sflag:s19] =	ssyncset.done $0x0  }
0x2e: {  	[sflag:s19] =	ssyncadd.s32 $0xFFFFE000  }
0x2f: {  	[spmem:s13] =	stream.linear.scatter [tilespmem:s21], [sflag:$0x2], $0x2000, $0x38;
	[tilespmem:$0x1C800] =	vst v63  }
0x30: {  	_ =	swait.ge [sflag:s19], $0x2000  }
0x31: {  	[sflag:s19] =	ssyncset.done $0x0  }
0x32: {  	[sflag:s19] =	ssyncadd.s32 $0xFFFFE000  }
0x33: {  	[spmem:s14] =	stream.linear.scatter [tilespmem:s21], [sflag:$0x2], $0x2000, $0x38;
	[tilespmem:$0x1C800] =	vst v63  }
0x34: {  	_ =	swait.ge [sflag:s19], $0x2000  }
0x35: {  	[sflag:s19] =	ssyncset.done $0x0  }
0x36: {  	[sflag:s19] =	ssyncadd.s32 $0xFFFFE000  }
0x37: {  	[spmem:s15] =	stream.linear.scatter [tilespmem:s21], [sflag:$0x2], $0x2000, $0x38;
	[tilespmem:$0x1C800] =	vst v63  }
0x38: {  	_ =	swait.ge [sflag:s19], $0x2000  }
0x39: {  	[sflag:s19] =	ssyncset.done $0x0  }
0x3a: {  	[sflag:s19] =	ssyncadd.s32 $0xFFFFE000  }
0x3b: {  	[spmem:s16] =	stream.linear.scatter [tilespmem:s21], [sflag:$0x2], $0x2000, $0x38;
	[tilespmem:$0x1C800] =	vst v63  }
0x3c: {  	_ =	swait.ge [sflag:s19], $0x2000  }
0x3d: {  	[sflag:s19] =	ssyncset.done $0x0  }
0x3e: {  	[sflag:s19] =	ssyncadd.s32 $0xFFFFE000  }
0x3f: {  	[spmem:s17] =	stream.linear.scatter [tilespmem:s21], [sflag:$0x2], $0x2000, $0x38;
	[tilespmem:$0x1C800] =	vst v63  }
0x40: {  	_ =	swait.ge [sflag:s19], $0x2000  }
0x41: {  	[sflag:s19] =	ssyncset.done $0x0  }
0x42: {  	[sflag:s19] =	ssyncadd.s32 $0xFFFFE000  }
0x43: {  	[spmem:s18] =	stream.linear.scatter [tilespmem:s21], [sflag:$0x2], $0x2000, $0x38;
	[tilespmem:$0x1C800] =	vst v63  }
0x44: {  	_ =	swait.ge [sflag:s19], $0x2000  }
0x45: {  	[sflag:s19] =	ssyncset.done $0x0  }
0x46: {  	[sflag:s19] =	ssyncadd.s32 $0xFFFFE000  }
0x47: {  	s28 =	simm.s32 $0x0;
	[bflag:$0x0] =	sbarrier.arrive $0xFFFF  }
0x48: {  	[tilespmem:s23], [sflag:$0x1] =	stream.indirect.gather [hbm4b:s4+s22], $0x80, s28, s22, $0xb8;
	[tilespmem:$0x1C800] =	vst v63  }
0x49: {  	_ =	swait.ge [sflag:s24], $0x4000  }
0x4a: {  	[sflag:s24] =	ssyncset.done $0x0  }
0x4b: {  	s28 =	simm.s32 $0x1400;
	[sflag:s24] =	ssyncadd.s32 $0xFFFFC000  }
0x4c: {  	[spmem:s1] =	stream.indirect.scatter.add.f32 [tilespmem:s23], [sflag:$0x2], $0x80, s28, s22, $0xb8;
	[tilespmem:$0x1C800] =	vst v63  }
0x4d: {  	_ =	swait.ge [sflag:s19], $0x4000  }
0x4e: {  	s29 =	simm.s32 $0x400;
	s28 =	simm.s32 $0x200;
	[sflag:s19] =	ssyncset.done $0x0  }
.LBB2_4:
0x4f: {  	s30 =	sshra.s32 s28, $0x2  }
0x50: {  	[sflag:s19] =	ssyncadd.s32 $0xFFFFC000;
	s28 =	smov.u32 s29;
	s31 =	sadd.s32 $0x200, s29  }
0x51: {  	[tilespmem:s23], [sflag:$0x1] =	stream.indirect.gather [hbm4b:s4+s22], $0x80, s30, s22, $0xb8;
	[tilespmem:$0x1C800] =	vst v63  }
0x52: {  	p0 =	sne.s32 s29, $0x4E00;
	_ =	swait.ge [sflag:s24], $0x4000  }
.Ltmp1:
0x53: {  	[sflag:s24] =	ssyncset.done $0x0;
	(pc) =	sbr.rel @p0 .LBB2_4-.Ltmp1, $4  }
0x54: {  	s29 =	sadd.s32 $0x1400, s30;
	[sflag:s24] =	ssyncadd.s32 $0xFFFFC000  }
0x55: {  	[spmem:s1] =	stream.indirect.scatter.add.f32 [tilespmem:s23], [sflag:$0x2], $0x80, s29, s22, $0xb8;
	[tilespmem:$0x1C800] =	vst v63  }
0x56: {  	_ =	swait.ge [sflag:s19], $0x4000  }
0x57: {  	s29 =	smov.u32 s31;
	[sflag:s19] =	ssyncset.done $0x0  }
0x58: {  	s28 =	sshra.s32 s28, $0x2;
	[sflag:s19] =	ssyncadd.s32 $0xFFFFC000  }
0x59: {  	[tilespmem:s23], [sflag:$0x1] =	stream.indirect.gather [hbm4b:s4+s22], $0x80, s28, s22, $0xb8;
	[tilespmem:$0x1C800] =	vst v63  }
0x5a: {  	_ =	swait.ge [sflag:s24], $0x4000  }
0x5b: {  	[sflag:s24] =	ssyncset.done $0x0  }
0x5c: {  	s28 =	sadd.s32 $0x1400, s28;
	[sflag:s24] =	ssyncadd.s32 $0xFFFFC000  }
0x5d: {  	[spmem:s1] =	stream.indirect.scatter.add.f32 [tilespmem:s23], [sflag:$0x2], $0x80, s28, s22, $0xb8;
	[tilespmem:$0x1C800] =	vst v63  }
0x5e: {  	_ =	swait.ge [sflag:s19], $0x4000  }
0x5f: {  	s26 =	sadd.s32 $0x1, s26;
	[sflag:s19] =	ssyncset.done $0x0  }
0x60: {  	p0 =	sne.s32 s26, s9;
	[sflag:s19] =	ssyncadd.s32 $0xFFFFC000  }
.Ltmp2:
0x61: {  	s31 =	sshrl.u32 s7, $0x3;
	[bflag:$0x0] =	sbarrier.arrive $0xFFFF;
	(pc) =	sbr.rel @p0 .LBB2_1-.Ltmp2, $4  }
0x62: {  	[hbm:s8], [sflag:s25] =	dma.local [spmem:s31], $0x2800  }
0x63: {  	_ =	swait.ge [sflag:s19], $0x2800  }
0x64: {  	[sflag:s19] =	ssyncset.done $0x0  }
0x65: {  	[sflag:s19] =	ssyncadd.s32 $0xFFFFD800  }
0x66: {  	_ =	sfence.sel $0x180000  }
0x67: {  	[bflag:$0x0] =	sbarrier.arrive $0xFFFF  }
0x68: {  	p0 =	sne.s32 s2, $0x0;
	_ =	strace $0x9000004D  }
0x69: {  	s0 =	sadd.s32 @!p0 $0x100000, s0;
	[bflag:$0x2] =	sbarrier.arrive $0xFFFF  }
0x6a: {  	[sflag:s0] =	ssyncadd.tile.s32 @!p0 $0x1;
	_ =	shalt  }
.Lfunc_end2:
_tile_overlayer_lowered:
.L_overlay_start_2:
0x6b: {  	(tag) =	ssettag $0x2  }
0x6c: {  	s0 =	rddreg [dreg:$0x0];
	s2 =	stileid.u32  }
0x6d: {  	s1 =	rddreg [dreg:$0x1];
	p0 =	sne.s32 s2, $0x0  }
0x6e: {  	s3 =	rddreg [dreg:$0x2];
	[bflag:$0x3] =	sbarrier.arrive $0xFFFF;
	s2 =	simm.s32 @!p0 $0x1C02  }
0x6f: {  	[timem:s3], [sflag:s2] =	dma.local @!p0 [hbm:s0], s1  }
0x70: {  	s0 =	simm.s32 @!p0 $0x2  }
0x71: {  	_ =	swait.ge @!p0 [sflag:s0], s1  }
0x72: {  	s1 =	ssub.s32 @!p0 $0x0, s1;
	[sflag:s0] =	ssyncset.done @!p0 $0x0  }
0x73: {  	[sflag:s0] =	ssyncadd.s32 @!p0 s1  }
0x74: {  	[bflag:$0x3] =	sbarrier.arrive $0xFFFF  }
0x75: {  	_ =	shalt  }

// kernel: kernel.8.cloned.1.call-start
scs
__scs_entry_jumppad:
0x0: {  	(pc) =	sbr.rel $0x88, $3  }
0x1: {  	(tag) =	ssettag $0x0;
	lr =	simm.s32 $0x1  }
0x2: {  	[smem:$0x3F9B] =	sst lr;
	_ =	strace $0xD0000000  }
0x3: {  	_ = 	snop  }
0x4: {  	_ = 	snop  }
0x5: {  	_ = 	snop  }
0x6: {  	_ = 	snop  }
0x7: {  	_ = 	snop  }
__scs_overlays_trampoline_lowered:
0x8: {  	[smem:$0x3FAA] =	sst s0  }
0x9: {  	[smem:$0x3FAB] =	sst s1  }
0xa: {  	[smem:$0x3FAC] =	sst s2  }
0xb: {  	[smem:$0x3FAD] =	sst s3  }
0xc: {  	[smem:$0x3FAE] =	sst s4  }
0xd: {  	[smem:$0x3FAF] =	sst s5  }
0xe: {  	[smem:$0x3FB0] =	sst s6  }
0xf: {  	[smem:$0x3FB1] =	sst s7  }
0x10: {  	[smem:$0x3FB2] =	sst s8  }
0x11: {  	[smem:$0x3FB3] =	sst s9;
	s0 =	simm.s32 @!p0 $0x0  }
0x12: {  	s1 =	sld [smem:$0x3F99];
	s0 =	simm.s32 @p0 $0x1  }
0x13: {  	[smem:$0x3FB4] =	sst s0;
	s0 =	simm.s32 @!p1 $0x0  }
0x14: {  	s2 =	sld [smem:$0x3F98];
	s0 =	simm.s32 @p1 $0x1  }
0x15: {  	[smem:$0x3FB5] =	sst s0;
	s0 =	simm.s32 @!p2 $0x0  }
0x16: {  	s3 =	sld [smem:$0x3FDB];
	s0 =	simm.s32 @p2 $0x1  }
0x17: {  	s4 =	simm.s32 $0x1BF5;
	[smem:$0x3FB7] =	sst s0  }
0x18: {  	s0 =	sld [smem:$0x3F9A];
	_ =	swait.ge [sflag:s4], $0x0  }
0x19: {  	s7 =	sld [smem:$0x3F9B]  }
0x1a: {  	s8 =	sadd.s32 $0xFFFFE003, lr  }
0x1b: {  	s9 =	sadd.s32 $0xFFFFFEF7, lr;
	s5 =	simm.s32 $0xFFFFFFFF;
	p2 =	slt.u32 s8, $0xFFFFF086  }
0x1c: {  	p1 =	slt.u32 s9, $0xF7A;
	s5 =	simm.s32 @!p2 $0x0  }
0x1d: {  	s5 =	simm.s32 @p1 $0x1;
	p0 =	seq.s32 s7, s2  }
0x1e: {  	s7 =	smul.u32 @!p0 $0xF7A, s2;
	p2 =	seq.s32 @!p0 s5, $0x0  }
0x1f: {  	s9 =	smul.u32 $0xF7A, s1;
	s8 =	simm.s32 @!p0 $0x1BF5;
	p2 =	por !p2, p0  }
0x20: {  	[sflag:s8] =	ssyncset.s32 @!p0 $0xFFFFF086;
	s6 =	sadd.s32 @!p0 s3, s7;
	s7 =	simm.s32 @!p0 $0x108  }
0x21: {  	s3 =	sadd.s32 s3, s9;
	s6 =	sadd.s32 @!p0 $0x88, s6;
	s7 =	simm.s32 @p2 $0x1082  }
0x22: {  	[simem:s7], [sflag:s8] =	dma.local @!p0 [hbm:s6], $0xF7A  }
0x23: {  	s9 =	sor.u32 $0xD0000000, s2;
	s6 =	simm.s32 $0x108;
	_ =	swait.ge @!p0 [sflag:s8], $0x0  }
0x24: {  	s3 =	sadd.s32 $0x88, s3;
	s6 =	simm.s32 @!p1 $0x1082;
	[sflag:s4] =	ssyncset.s32 $0xFFFFF086  }
0x25: {  	[simem:s6], [sflag:s4] =	dma.local [hbm:s3], $0xF7A  }
0x26: {  	[smem:$0x3F9B] =	sst s1;
	(tag) =	ssettag s2;
	_ =	strace s9  }
0x27: {  	s1 =	sld [smem:$0x3FAB]  }
0x28: {  	s2 =	sld [smem:$0x3FAC]  }
0x29: {  	s4 =	sld [smem:$0x3FAE]  }
0x2a: {  	p0 =	seq.s32 s5, $0x0;
	s5 =	sld [smem:$0x3FAF]  }
0x2b: {  	s6 =	sld [smem:$0x3FB0]  }
0x2c: {  	s7 =	sld [smem:$0x3FB1]  }
0x2d: {  	s3 =	simm.s32 $0x108;
	s8 =	sld [smem:$0x3FB2]  }
0x2e: {  	s3 =	simm.s32 @!p0 $0x1082;
	s9 =	sld [smem:$0x3FB3]  }
0x2f: {  	lr =	sadd.s32 s0, s3;
	s0 =	sld [smem:$0x3FAA]  }
0x30: {  	s3 =	sld [smem:$0x3FAD]  }
0x31: {  	[smem:$0x3FB6] =	sst s10  }
0x32: {  	s10 =	sld [smem:$0x3FB4];
	_ =	sdelay $0x3  }
0x33: {  	p0 =	seq.s32 s10, $0x1;
	s10 =	sld [smem:$0x3FB6];
	_ =	sdelay $0x3  }
0x34: {  	[smem:$0x3FB6] =	sst s10  }
0x35: {  	s10 =	sld [smem:$0x3FB5];
	_ =	sdelay $0x3  }
0x36: {  	p1 =	seq.s32 s10, $0x1;
	s10 =	sld [smem:$0x3FB6];
	_ =	sdelay $0x3  }
0x37: {  	[smem:$0x3FB6] =	sst s10  }
0x38: {  	s10 =	sld [smem:$0x3FB7]  }
0x39: {  	_ = 	snop;
	(pc) =	sbr.ind lr, $3  }
0x3a: {  	_ = 	snop  }
0x3b: {  	_ = 	snop  }
0x3c: {  	p2 =	seq.s32 s10, $0x1;
	s10 =	sld [smem:$0x3FB6]  }
0x3d: {  	_ =	shalt  }
0x3e: {  	_ =	shalt  }
0x3f: {  	_ =	shalt  }
0x40: {  	_ =	shalt  }
0x41: {  	_ =	shalt  }
0x42: {  	_ =	shalt  }
0x43: {  	_ =	shalt  }
0x44: {  	_ =	shalt  }
0x45: {  	_ =	shalt  }
0x46: {  	_ =	shalt  }
0x47: {  	_ =	shalt  }
0x48: {  	_ =	shalt  }
0x49: {  	_ =	shalt  }
0x4a: {  	_ =	shalt  }
0x4b: {  	_ =	shalt  }
0x4c: {  	_ =	shalt  }
0x4d: {  	_ =	shalt  }
0x4e: {  	_ =	shalt  }
0x4f: {  	_ =	shalt  }
0x50: {  	_ =	shalt  }
0x51: {  	_ =	shalt  }
0x52: {  	_ =	shalt  }
0x53: {  	_ =	shalt  }
0x54: {  	_ =	shalt  }
0x55: {  	_ =	shalt  }
0x56: {  	_ =	shalt  }
0x57: {  	_ =	shalt  }
0x58: {  	_ =	shalt  }
0x59: {  	_ =	shalt  }
0x5a: {  	_ =	shalt  }
0x5b: {  	_ =	shalt  }
0x5c: {  	_ =	shalt  }
0x5d: {  	_ =	shalt  }
0x5e: {  	_ =	shalt  }
0x5f: {  	_ =	shalt  }
0x60: {  	_ =	shalt  }
0x61: {  	_ =	shalt  }
0x62: {  	_ =	shalt  }
0x63: {  	_ =	shalt  }
0x64: {  	_ =	shalt  }
0x65: {  	_ =	shalt  }
0x66: {  	_ =	shalt  }
0x67: {  	_ =	shalt  }
0x68: {  	_ =	shalt  }
0x69: {  	_ =	shalt  }
0x6a: {  	_ =	shalt  }
0x6b: {  	_ =	shalt  }
0x6c: {  	_ =	shalt  }
0x6d: {  	_ =	shalt  }
0x6e: {  	_ =	shalt  }
0x6f: {  	_ =	shalt  }
0x70: {  	_ =	shalt  }
0x71: {  	_ =	shalt  }
0x72: {  	_ =	shalt  }
0x73: {  	_ =	shalt  }
0x74: {  	_ =	shalt  }
0x75: {  	_ =	shalt  }
0x76: {  	_ =	shalt  }
0x77: {  	_ =	shalt  }
0x78: {  	_ =	shalt  }
0x79: {  	_ =	shalt  }
0x7a: {  	_ =	shalt  }
0x7b: {  	_ =	shalt  }
0x7c: {  	_ =	shalt  }
0x7d: {  	_ =	shalt  }
0x7e: {  	_ =	shalt  }
0x7f: {  	_ =	shalt  }
0x80: {  	_ =	shalt  }
0x81: {  	_ =	shalt  }
0x82: {  	_ =	shalt  }
0x83: {  	_ =	shalt  }
0x84: {  	_ =	shalt  }
0x85: {  	_ =	shalt  }
0x86: {  	_ =	shalt  }
0x87: {  	_ =	shalt  }
.Lfunc_end0:
.L_simem_size_0:
called_computation_lowered:
.L_overlay_start_0:
0x88: {  	s2 =	sld [smem:$0x3FD9]  }
0x89: {  	s3 =	sld [smem:$0x3FFE];
	_ =	sdelay $0x1  }
0x8a: {  	s1 =	srdreg.scid  }
0x8b: {  	s0 =	sand.u32 $0x1, s1  }
0x8c: {  	s17 =	sshll.u32 s0, $0xA;
	s2 =	sadd.s32 s3, s2  }
0x8d: {  	s2 =	sadd.s32 s2, s17  }
0x8e: {  	[smem:$0x3FC2] =	sst s2  }
0x8f: {  	_ = 	snop  }
0x90: {  	s2 =	sld [smem:$0x3FD0];
	(tm) =	ssettm $0x1  }
0x91: {  	s18 =	sld [smem:$0x3FFB];
	_ =	sdelay $0x3  }
0x92: {  	_ =	strace s18  }
0x93: {  	s3 =	sld [smem:$0x3FFC];
	_ =	sdelay $0x3  }
0x94: {  	_ =	strace s3  }
0x95: {  	s3 =	sld [smem:$0x3FFD];
	_ =	sdelay $0x3  }
0x96: {  	_ =	strace s3  }
0x97: {  	_ =	strace $0x8FFFFFFF  }
0x98: {  	s19 =	sld [smem:$0x3FDB];
	_ =	sdelay $0x1  }
0x99: {  	s4 =	simm.s32 $_scs_section_size  }
0x9a: {  	s5 =	simm.s32 $_size__tile_overlayer_lowered;
	s6 =	simm.s32 $_tile_overlayer_lowered  }
0x9b: {  	s22 =	simm.s32 $0x1BFF;
	s21 =	sshll.u32 s6, $0x1;
	s3 =	sadd.s32 s4, s19  }
0x9c: {  	s7 =	simm.s32 $0x0;
	s20 =	sshll.u32 s5, $0x1;
	s5 =	sadd.s32 s21, s3  }
0x9d: {  	[timem:s7], [sflag:s22] =	dma.local [hbm:s5], s20  }
0x9e: {  	_ =	swait.ge [sflag:s22], s20  }
0x9f: {  	s4 =	ssub.s32 $0x0, s20;
	[sflag:s22] =	ssyncset.done $0x0  }
0xa0: {  	[sflag:s22] =	ssyncadd.s32 s4;
	_ =	sdelay $0x1  }
0xa1: {  	s23 =	simm.s32 $0x1B8B  }
0xa2: {  	_ =	swait.ge [sflag:s23], $0x1  }
0xa3: {  	[sflag:s23] =	ssyncset.done $0x0  }
0xa4: {  	s25 =	simm.s32 $0x1B8E;
	s24 =	sld [smem:$0x3FFE];
	[sflag:s23] =	ssyncadd.s32 $0xFFFFFFFF  }
0xa5: {  	s26 =	simm.s32 $execute0_lowered;
	[smem:$0x3FD2] =	sst s25  }
0xa6: {  	s5 =	sshll.u32 s26, $0x1;
	_ =	strace $0x80000046;
	[dreg:$0x1] =	wrdreg $0xFFFFFFFF  }
0xa7: {  	s28 =	simm.s32 $_size_execute0_lowered;
	s3 =	sadd.s32 s3, s5;
	[dreg:$0x0] =	wrdreg $0x0  }
0xa8: {  	s5 =	sshll.u32 s28, $0x1;
	[dreg:$0x2] =	wrdreg s3  }
0xa9: {  	[dreg:$0x3] =	wrdreg s5  }
0xaa: {  	[dreg:$0x4] =	wrdreg $0xC0  }
0xab: {  	_ =	task [dreg:s7], $0x5FFFF  }
0xac: {  	[dreg:$0x1] =	wrdreg $0xFFFFFFFF  }
0xad: {  	[dreg:$0x0] =	wrdreg $0x60  }
0xae: {  	[dreg:$0x2] =	wrdreg s24  }
0xaf: {  	[dreg:$0x3] =	wrdreg s2  }
0xb0: {  	[dreg:$0x4] =	wrdreg $0x17000  }
0xb1: {  	[dreg:$0x5] =	wrdreg $0x9  }
0xb2: {  	_ =	task.clear_ibuf [dreg:s7], $0x6FFFF;
	_ =	strace $0x90000046  }
0xb3: {  	s29 =	simm.s32 $0x9;
	_ =	strace $0x80000048  }
0xb4: {  	_ =	swait.ge [sflag:s29], $0x1  }
0xb5: {  	[sflag:s29] =	ssyncadd.s32 $0xFFFFFFFF  }
0xb6: {  	_ =	strace $0x90000048  }
0xb7: {  	_ =	sfence  }
0xb8: {  	s30 =	sld [smem:$0x0];
	_ =	sdelay $0x2  }
0xb9: {  	s31 =	sshll.u32 s1, $0xD;
	s1 =	sshrl.u32 s1, $0x2  }
0xba: {  	s3 =	sand.u32 $0x4000, s31;
	s1 =	sadd.s32 s1, s30  }
0xbb: {  	s0 =	sor.u32 s3, s0;
	s1 =	sshll.u32 s1, $0x11  }
0xbc: {  	s0 =	sor.u32 s1, s0  }
0xbd: {  	s0 =	sadd.s32 $0x8F2B, s0  }
0xbe: {  	[sflag:s0] =	ssyncadd.remote.s32 $0x1  }
0xbf: {  	_ =	sfence.sel $0xFFFF  }
0xc0: {  	[dreg:$0x0] =	wrdreg $0xFFFFFFFF;
	(pc) =	sbr.abs _section_cstart, $3  }
0xc1: {  	[dreg:$0x1] =	wrdreg $0xFFFFFFFF  }
0xc2: {  	_ =	task.clear_ibuf [dreg:s7], $0x2FFFF;
	_ =	strace $0x9FFFFFFF  }
0xc3: {  	(tm) =	ssettm $0x7FFFFFFF  }
tec
execute0_lowered:
.L_overlay_start_1:
0x0: {  	(tag) =	ssettag $0x1  }
0x1: {  	s4 =	rddreg [dreg:$0x0]  }
0x2: {  	s6 =	rddreg [dreg:$0x1];
	s0 =	srdreg.scid  }
0x3: {  	s2 =	rddreg [dreg:$0x2];
	s1 =	stileid.u32;
	s3 =	simm.s32 $0x0  }
0x4: {  	s11 =	simm.s32 $0x1400;
	s5 =	sand.u32 $0x1, s0;
	s0 =	rddreg [dreg:$0x3]  }
0x5: {  	s14 =	simm.s32 $0x0;
	s8 =	smul.u32 $0x280, s1;
	[smem:$0x7FF] =	sst s3  }
0x6: {  	s12 =	sshll.u32 s1, $0x6;
	s7 =	sshll.u32 s5, $0x4;
	s9 =	smul.u32 $0x2800, s5  }
0x7: {  	s5 =	ssub.s32 $0x2, s5;
	_ =	strace $0x80000047;
	s7 =	sor.u32 s1, s7  }
0x8: {  	s10 =	sshrl.u32 s5, $0x1;
	s7 =	smul.u32 $0x280, s7;
	s9 =	sadd.s32 s8, s9  }
0x9: {  	s12 =	sor.u32 $0x1C01, s12;
	s10 =	ssub.s32 s5, s10;
	s9 =	sshrl.u32 s9, $0x3  }
0xa: {  	s7 =	sadd.s32 s7, s4;
	s4 =	sadd.s32 s8, s2;
	s6 =	sadd.s32 s6, s9  }
0xb: {  	s8 =	simm.s32 $0x1480;
	s9 =	simm.s32 $0x1;
	s5 =	sadd.s32 $0x1000, s7  }
0xc: {  	v0 =	vimm.f32 $1.000000000e+00;
	v1 =	vimm.f32 $0.0e+00;
	s7 =	smax.u32 s10, $0x1;
	s10 =	simm.s32 $0x80;
	s13 =	sshrl.u32 s4, $0x3  }
.LBB2_1:
0xd: {  	[tilespmem:$0x1400] =	vst v0  }
0xe: {  	[tilespmem:$0x1410] =	vst v0  }
0xf: {  	[tilespmem:$0x1420] =	vst v0  }
0x10: {  	[tilespmem:$0x1430] =	vst v0  }
0x11: {  	[tilespmem:$0x1440] =	vst v0  }
0x12: {  	[tilespmem:$0x1450] =	vst v0  }
0x13: {  	[tilespmem:$0x1460] =	vst v0  }
0x14: {  	[tilespmem:$0x1470] =	vst v0  }
0x15: {  	[tilespmem:$0x1480] =	vst v1  }
0x16: {  	[tilespmem:$0x1490] =	vst v1  }
0x17: {  	[tilespmem:$0x14A0] =	vst v1  }
0x18: {  	[tilespmem:$0x14B0] =	vst v1  }
0x19: {  	[tilespmem:$0x14C0] =	vst v1  }
0x1a: {  	[tilespmem:$0x14D0] =	vst v1  }
0x1b: {  	[tilespmem:$0x14E0] =	vst v1  }
0x1c: {  	[tilespmem:$0x14F0] =	vst v1  }
0x1d: {  	[tilespmem:$0x1500] =	vst v1  }
0x1e: {  	[tilespmem:$0x1510] =	vst v1  }
0x1f: {  	[tilespmem:$0x1520] =	vst v1  }
0x20: {  	[tilespmem:$0x1530] =	vst v1  }
0x21: {  	[tilespmem:$0x1540] =	vst v1  }
0x22: {  	[tilespmem:$0x1550] =	vst v1  }
0x23: {  	[tilespmem:$0x1560] =	vst v1  }
0x24: {  	[tilespmem:$0x1570] =	vst v1  }
0x25: {  	[tilespmem:$0x1580] =	vst v1  }
0x26: {  	[tilespmem:$0x1590] =	vst v1  }
0x27: {  	[tilespmem:$0x15A0] =	vst v1  }
0x28: {  	[tilespmem:$0x15B0] =	vst v1  }
0x29: {  	[tilespmem:$0x15C0] =	vst v1  }
0x2a: {  	[tilespmem:$0x15D0] =	vst v1  }
0x2b: {  	[tilespmem:$0x15E0] =	vst v1  }
0x2c: {  	[tilespmem:$0x15F0] =	vst v1  }
0x2d: {  	[tilespmem:$0x1600] =	vst v1  }
0x2e: {  	[tilespmem:$0x1610] =	vst v1  }
0x2f: {  	[tilespmem:$0x1620] =	vst v1  }
0x30: {  	[tilespmem:$0x1630] =	vst v1  }
0x31: {  	[tilespmem:$0x1640] =	vst v1  }
0x32: {  	[tilespmem:$0x1650] =	vst v1  }
0x33: {  	[tilespmem:$0x1660] =	vst v1  }
0x34: {  	[tilespmem:$0x1670] =	vst v1  }
0x35: {  	[tilespmem:$0x1680] =	vst v1  }
0x36: {  	[tilespmem:$0x1690] =	vst v1  }
0x37: {  	[tilespmem:$0x16A0] =	vst v1  }
0x38: {  	[tilespmem:$0x16B0] =	vst v1  }
0x39: {  	[tilespmem:$0x16C0] =	vst v1  }
0x3a: {  	[tilespmem:$0x16D0] =	vst v1  }
0x3b: {  	[tilespmem:$0x16E0] =	vst v1  }
0x3c: {  	[tilespmem:$0x16F0] =	vst v1  }
0x3d: {  	[spmem:s4] =	stream.linear.scatter [tilespmem:s8], [sflag:$0x1], $0x280, $0x38;
	[tilespmem:$0x1980] =	vst v63  }
0x3e: {  	_ =	swait.ge [sflag:s9], $0x280  }
0x3f: {  	[sflag:s9] =	ssyncset.done $0x0  }
0x40: {  	[sflag:s9] =	ssyncadd.s32 $0xFFFFFD80  }
0x41: {  	[tilespmem:s3], [sflag:$0x1] =	stream.linear.gather [hbm4b:s5+s3], $0x1400, $0x38;
	[tilespmem:$0x1980] =	vst v63  }
0x42: {  	_ =	swait.ge [sflag:s9], $0x1400  }
0x43: {  	[sflag:s9] =	ssyncset.done $0x0  }
0x44: {  	[sflag:s9] =	ssyncadd.s32 $0xFFFFEC00  }
0x45: {  	s15 =	simm.s32 $0x0;
	[bflag:$0x0] =	sbarrier.arrive $0xFFFF  }
0x46: {  	[spmem:s2] =	stream.indirect.scatter.add.f32 [tilespmem:s11], [sflag:$0x1], $0x1, s15, s10, $0xb8;
	[tilespmem:$0x1980] =	vst v63  }
0x47: {  	_ =	swait.ge [sflag:s9], $0x80  }
0x48: {  	s15 =	simm.s32 $0x200;
	[sflag:s9] =	ssyncset.done $0x0  }
.LBB2_2:
0x49: {  	s16 =	sshra.s32 s15, $0x2;
	[sflag:s9] =	ssyncadd.s32 $0xFFFFFF80;
	p0 =	sne.s32 s15, $0x4E00  }
0x4a: {  	[spmem:s2] =	stream.indirect.scatter.add.f32 [tilespmem:s11], [sflag:$0x1], $0x1, s16, s10, $0xb8;
	[tilespmem:$0x1980] =	vst v63  }
.Ltmp0:
0x4b: {  	_ = 	snop;
	(pc) =	sbr.rel @p0 .LBB2_2-.Ltmp0, $4  }
0x4c: {  	_ = 	snop  }
0x4d: {  	s15 =	sadd.s32 $0x200, s15  }
0x4e: {  	_ =	swait.ge [sflag:s9], $0x80  }
0x4f: {  	[sflag:s9] =	ssyncset.done $0x0  }
0x50: {  	s14 =	sadd.s32 $0x1, s14  }
0x51: {  	[sflag:s9] =	ssyncadd.s32 $0xFFFFFF80;
	p0 =	sne.s32 s14, s7  }
.Ltmp1:
0x52: {  	[bflag:$0x0] =	sbarrier.arrive $0xFFFF;
	(pc) =	sbr.rel @p0 .LBB2_1-.Ltmp1, $4  }
0x53: {  	[hbm:s6], [sflag:s12] =	dma.local [spmem:s13], $0x50  }
0x54: {  	_ =	swait.ge [sflag:s9], $0x50  }
0x55: {  	[sflag:s9] =	ssyncset.done $0x0  }
0x56: {  	[sflag:s9] =	ssyncadd.s32 $0xFFFFFFB0  }
0x57: {  	_ =	sfence.sel $0x180000  }
0x58: {  	[bflag:$0x0] =	sbarrier.arrive $0xFFFF  }
0x59: {  	p0 =	sne.s32 s1, $0x0;
	_ =	strace $0x90000047  }
0x5a: {  	s0 =	sadd.s32 @!p0 $0x100000, s0;
	[bflag:$0x2] =	sbarrier.arrive $0xFFFF  }
0x5b: {  	[sflag:s0] =	ssyncadd.tile.s32 @!p0 $0x1;
	_ =	shalt  }
.Lfunc_end2:
_tile_overlayer_lowered:
.L_overlay_start_2:
0x5c: {  	(tag) =	ssettag $0x2  }
0x5d: {  	s0 =	rddreg [dreg:$0x0];
	s2 =	stileid.u32  }
0x5e: {  	s1 =	rddreg [dreg:$0x1];
	p0 =	sne.s32 s2, $0x0  }
0x5f: {  	s3 =	rddreg [dreg:$0x2];
	[bflag:$0x3] =	sbarrier.arrive $0xFFFF;
	s2 =	simm.s32 @!p0 $0x1C01  }
0x60: {  	[timem:s3], [sflag:s2] =	dma.local @!p0 [hbm:s0], s1  }
0x61: {  	s0 =	simm.s32 @!p0 $0x1  }
0x62: {  	_ =	swait.ge @!p0 [sflag:s0], s1  }
0x63: {  	s1 =	ssub.s32 @!p0 $0x0, s1;
	[sflag:s0] =	ssyncset.done @!p0 $0x0  }
0x64: {  	[sflag:s0] =	ssyncadd.s32 @!p0 s1  }
0x65: {  	[bflag:$0x3] =	sbarrier.arrive $0xFFFF  }
0x66: {  	_ =	shalt  }

</sc_bundles>
